<compile_context>
chip_gen: v7x
topology: tpu7x:2x2x1
jax: 0.10.2.dev20260603
libtpu: 0.0.44.dev20260713+nightly
codegen_flags: <defaults>
</compile_context>

<pallas_src>
import functools

import jax
import jax.numpy as jnp
from jax import lax
from jax.experimental import pallas as pl
from jax.experimental.pallas import tpu as pltpu
from jax.experimental.pallas import tpu_sc as plsc

DP_CONST = 0.2
RATIO = 1.0 / (1.0 - DP_CONST)
N_EDGES_CONST = 6400000
NUM_WORKERS = 32
PER_WORKER = N_EDGES_CONST // NUM_WORKERS
CHUNK = 4000
N_CHUNKS = PER_WORKER // CHUNK
LANES = 16
NBUF = 10
NGROUPS = N_CHUNKS // NBUF


def _drop_adj_sc(edge_values, rand_vals):
    mesh = plsc.VectorSubcoreMesh(core_axis_name="c", subcore_axis_name="s")

    vmem = lambda: pltpu.VMEM((CHUNK,), jnp.float32)

    @functools.partial(
        pl.kernel,
        mesh=mesh,
        out_type=jax.ShapeDtypeStruct((N_EDGES_CONST,), jnp.float32),
        scratch_types=(
            [vmem() for _ in range(3 * NBUF)]
            + [pltpu.SemaphoreType.DMA] * (3 * NBUF)
        ),
    )
    def k(vals_hbm, rand_hbm, out_hbm, *scratch):
        ivs = scratch[0:NBUF]
        irs = scratch[NBUF:2 * NBUF]
        obs = scratch[2 * NBUF:3 * NBUF]
        sems = scratch[3 * NBUF:]
        svs = sems[0:NBUF]
        srs = sems[NBUF:2 * NBUF]
        sos = sems[2 * NBUF:]

        wid = lax.axis_index("s") * 2 + lax.axis_index("c")
        base = wid * PER_WORKER

        def in_copies(ci, b):
            off = base + ci * CHUNK
            cv = pltpu.make_async_copy(
                vals_hbm.at[pl.ds(off, CHUNK)], ivs[b], svs[b])
            cr = pltpu.make_async_copy(
                rand_hbm.at[pl.ds(off, CHUNK)], irs[b], srs[b])
            return cv, cr

        def out_copy(ci, b):
            off = base + ci * CHUNK
            return pltpu.make_async_copy(
                obs[b], out_hbm.at[pl.ds(off, CHUNK)], sos[b])

        for b in range(NBUF):
            cv, cr = in_copies(b, b)
            cv.start()
            cr.start()

        def group_body(g, carry):
            for b in range(NBUF):
                ci = g * NBUF + b
                cv, cr = in_copies(ci, b)
                cv.wait()
                cr.wait()

                @pl.when(g > 0)
                def _():
                    out_copy(ci, b).wait()

                iv, ir, ob = ivs[b], irs[b], obs[b]

                @plsc.parallel_loop(0, CHUNK, step=LANES, unroll=4)
                def body(i, iv=iv, ir=ir, ob=ob):
                    sl = pl.ds(i, LANES)
                    v = iv[sl]
                    r = ir[sl]
                    ob[sl] = jnp.where(r > DP_CONST, v * RATIO,
                                       jnp.float32(0.0))

                out_copy(ci, b).start()

                @pl.when(g < NGROUPS - 1)
                def _():
                    nv, nr = in_copies(ci + NBUF, b)
                    nv.start()
                    nr.start()
            return carry

        lax.fori_loop(0, NGROUPS, group_body, 0)
        for b in range(NBUF):
            out_copy((NGROUPS - 1) * NBUF + b, b).wait()

    return k(edge_values, rand_vals)


COPY_GRID = 10
COPY_BLOCK = N_EDGES_CONST // COPY_GRID


def _copy_tc(edge_index):
    def body(x_ref, o_ref):
        o_ref[...] = x_ref[...]

    return pl.pallas_call(
        body,
        grid=(COPY_GRID,),
        in_specs=[pl.BlockSpec((2, COPY_BLOCK), lambda i: (0, i))],
        out_specs=pl.BlockSpec((2, COPY_BLOCK), lambda i: (0, i)),
        out_shape=jax.ShapeDtypeStruct((2, N_EDGES_CONST), jnp.int32),
    )(edge_index)


def kernel(edge_index, edge_values, rand_vals):
    out_vals = _drop_adj_sc(edge_values, rand_vals)
    idx_copy = _copy_tc(edge_index)
    return idx_copy, out_vals

# --- scband reference (transcript-rebuilt; emitter-appended) ---
"""Pipeline reference for scband-drop-adj-3075196584345 (READ-ONLY COPY).

The authoritative reference and input builder live on the scoring server;
editing this copy changes nothing except your own understanding.
"""

import jax, jax.numpy as jnp
import numpy as np

DP = 0.2
DOSCALE = True
N_NODES = 100000
N_EDGES = 6400000


def setup_inputs(seed: int = 0) -> dict:
    key = jax.random.key(seed)
    k1, k2, k3 = jax.random.split(key, 3)
    edge_index = jax.random.randint(k1, (2, N_EDGES), 0, N_NODES, dtype=jnp.int32)
    edge_values = jax.random.uniform(k2, (N_EDGES,), dtype=jnp.float32)
    rand_vals = jax.random.uniform(k3, (N_EDGES,), dtype=jnp.float32)
    return {"edge_index": edge_index, "edge_values": edge_values, "rand_vals": rand_vals}


def reference(edge_index, edge_values, rand_vals):
    # DropAdj forward (training mode): drop each nnz edge with prob DP,
    # then rescale surviving edge values by 1/(1-DP).
    # torch_sparse.masked_select_nnz compacts the COO storage; for a
    # static-shape JAX equivalent we keep the full nnz length and set
    # dropped entries' values to 0 (identical semantics for any downstream
    # SpMM / scatter-add consumer).
    ratio = jnp.float32(1.0 / (1.0 - DP))
    mask = rand_vals > DP  # keep where uniform > dp
    if DOSCALE:
        out_vals = jnp.where(mask, edge_values * ratio, jnp.float32(0.0))
    else:
        out_vals = jnp.where(mask, edge_values, jnp.float32(0.0))
    return edge_index, out_vals

if __name__ == "__main__":
    import jax
    _d = setup_inputs()
    print(jax.jit(kernel)(*tuple(_d.values())))

</pallas_src>

<mosaic_0001>
#map = affine_map<(d0, d1) -> (0)>
module attributes {stable_mosaic.version = 14 : i64} {
  func.func @k(%arg0: i32, %arg1: i32, %arg2: memref<6400000xf32, #tpu.memory_space<hbm>>, %arg3: memref<6400000xf32, #tpu.memory_space<hbm>>, %arg4: memref<6400000xf32, #tpu.memory_space<hbm>>, %arg5: memref<4000xf32, #tpu.memory_space<vmem>>, %arg6: memref<4000xf32, #tpu.memory_space<vmem>>, %arg7: memref<4000xf32, #tpu.memory_space<vmem>>, %arg8: memref<4000xf32, #tpu.memory_space<vmem>>, %arg9: memref<4000xf32, #tpu.memory_space<vmem>>, %arg10: memref<4000xf32, #tpu.memory_space<vmem>>, %arg11: memref<4000xf32, #tpu.memory_space<vmem>>, %arg12: memref<4000xf32, #tpu.memory_space<vmem>>, %arg13: memref<4000xf32, #tpu.memory_space<vmem>>, %arg14: memref<4000xf32, #tpu.memory_space<vmem>>, %arg15: memref<4000xf32, #tpu.memory_space<vmem>>, %arg16: memref<4000xf32, #tpu.memory_space<vmem>>, %arg17: memref<4000xf32, #tpu.memory_space<vmem>>, %arg18: memref<4000xf32, #tpu.memory_space<vmem>>, %arg19: memref<4000xf32, #tpu.memory_space<vmem>>, %arg20: memref<4000xf32, #tpu.memory_space<vmem>>, %arg21: memref<4000xf32, #tpu.memory_space<vmem>>, %arg22: memref<4000xf32, #tpu.memory_space<vmem>>, %arg23: memref<4000xf32, #tpu.memory_space<vmem>>, %arg24: memref<4000xf32, #tpu.memory_space<vmem>>, %arg25: memref<4000xf32, #tpu.memory_space<vmem>>, %arg26: memref<4000xf32, #tpu.memory_space<vmem>>, %arg27: memref<4000xf32, #tpu.memory_space<vmem>>, %arg28: memref<4000xf32, #tpu.memory_space<vmem>>, %arg29: memref<4000xf32, #tpu.memory_space<vmem>>, %arg30: memref<4000xf32, #tpu.memory_space<vmem>>, %arg31: memref<4000xf32, #tpu.memory_space<vmem>>, %arg32: memref<4000xf32, #tpu.memory_space<vmem>>, %arg33: memref<4000xf32, #tpu.memory_space<vmem>>, %arg34: memref<4000xf32, #tpu.memory_space<vmem>>, %arg35: memref<!tpu.dma_semaphore, #tpu.memory_space<semaphore_mem>>, %arg36: memref<!tpu.dma_semaphore, #tpu.memory_space<semaphore_mem>>, %arg37: memref<!tpu.dma_semaphore, #tpu.memory_space<semaphore_mem>>, %arg38: memref<!tpu.dma_semaphore, #tpu.memory_space<semaphore_mem>>, %arg39: memref<!tpu.dma_semaphore, #tpu.memory_space<semaphore_mem>>, %arg40: memref<!tpu.dma_semaphore, #tpu.memory_space<semaphore_mem>>, %arg41: memref<!tpu.dma_semaphore, #tpu.memory_space<semaphore_mem>>, %arg42: memref<!tpu.dma_semaphore, #tpu.memory_space<semaphore_mem>>, %arg43: memref<!tpu.dma_semaphore, #tpu.memory_space<semaphore_mem>>, %arg44: memref<!tpu.dma_semaphore, #tpu.memory_space<semaphore_mem>>, %arg45: memref<!tpu.dma_semaphore, #tpu.memory_space<semaphore_mem>>, %arg46: memref<!tpu.dma_semaphore, #tpu.memory_space<semaphore_mem>>, %arg47: memref<!tpu.dma_semaphore, #tpu.memory_space<semaphore_mem>>, %arg48: memref<!tpu.dma_semaphore, #tpu.memory_space<semaphore_mem>>, %arg49: memref<!tpu.dma_semaphore, #tpu.memory_space<semaphore_mem>>, %arg50: memref<!tpu.dma_semaphore, #tpu.memory_space<semaphore_mem>>, %arg51: memref<!tpu.dma_semaphore, #tpu.memory_space<semaphore_mem>>, %arg52: memref<!tpu.dma_semaphore, #tpu.memory_space<semaphore_mem>>, %arg53: memref<!tpu.dma_semaphore, #tpu.memory_space<semaphore_mem>>, %arg54: memref<!tpu.dma_semaphore, #tpu.memory_space<semaphore_mem>>, %arg55: memref<!tpu.dma_semaphore, #tpu.memory_space<semaphore_mem>>, %arg56: memref<!tpu.dma_semaphore, #tpu.memory_space<semaphore_mem>>, %arg57: memref<!tpu.dma_semaphore, #tpu.memory_space<semaphore_mem>>, %arg58: memref<!tpu.dma_semaphore, #tpu.memory_space<semaphore_mem>>, %arg59: memref<!tpu.dma_semaphore, #tpu.memory_space<semaphore_mem>>, %arg60: memref<!tpu.dma_semaphore, #tpu.memory_space<semaphore_mem>>, %arg61: memref<!tpu.dma_semaphore, #tpu.memory_space<semaphore_mem>>, %arg62: memref<!tpu.dma_semaphore, #tpu.memory_space<semaphore_mem>>, %arg63: memref<!tpu.dma_semaphore, #tpu.memory_space<semaphore_mem>>, %arg64: memref<!tpu.dma_semaphore, #tpu.memory_space<semaphore_mem>>) attributes {dimension_semantics = [#tpu.dimension_semantics<core_parallel>, #tpu.dimension_semantics<subcore_parallel>], iteration_bounds = array<i64: 2, 16>, scalar_prefetch = 0 : i64, scratch_operands = 60 : i64, tpu.core_type = #tpu.core_type<sc_vector_subcore>, window_params = [{transform_indices = #map}, {transform_indices = #map}, {transform_indices = #map}]} {
    %mul3A = arith.constant 2 : i32
    %mul3A_0 = arith.muli %arg1, %mul3A : i32
    %add3A = arith.addi %mul3A_0, %arg0 : i32
    %mul3A_1 = arith.constant 200000 : i32
    %mul3A_2 = arith.muli %add3A, %mul3A_1 : i32
    %add3A_3 = arith.constant 0 : i32
    %add3A_4 = arith.addi %mul3A_2, %add3A_3 : i32
    %dma_start3A = tpu.memref_slice %arg2[%add3A_4] : memref<6400000xf32, #tpu.memory_space<hbm>> -> memref<4000xf32, #tpu.memory_space<hbm>>
    %dma_start3A_5 = tpu.memref_slice %arg2[%add3A_4] : memref<6400000xf32, #tpu.memory_space<hbm>> -> memref<4000xf32, #tpu.memory_space<hbm>>
    tpu.enqueue_dma source(%dma_start3A_5 : memref<4000xf32, #tpu.memory_space<hbm>>) target(%arg5 : memref<4000xf32, #tpu.memory_space<vmem>>) target_semaphore(%arg35 : memref<!tpu.dma_semaphore, #tpu.memory_space<semaphore_mem>>)
    %dma_start3A_6 = tpu.memref_slice %arg3[%add3A_4] : memref<6400000xf32, #tpu.memory_space<hbm>> -> memref<4000xf32, #tpu.memory_space<hbm>>
    %dma_start3A_7 = tpu.memref_slice %arg3[%add3A_4] : memref<6400000xf32, #tpu.memory_space<hbm>> -> memref<4000xf32, #tpu.memory_space<hbm>>
    tpu.enqueue_dma source(%dma_start3A_7 : memref<4000xf32, #tpu.memory_space<hbm>>) target(%arg15 : memref<4000xf32, #tpu.memory_space<vmem>>) target_semaphore(%arg45 : memref<!tpu.dma_semaphore, #tpu.memory_space<semaphore_mem>>)
    %add3A_8 = arith.constant 4000 : i32
    %add3A_9 = arith.addi %mul3A_2, %add3A_8 : i32
    %dma_start3A_10 = tpu.memref_slice %arg2[%add3A_9] : memref<6400000xf32, #tpu.memory_space<hbm>> -> memref<4000xf32, #tpu.memory_space<hbm>>
    %dma_start3A_11 = tpu.memref_slice %arg2[%add3A_9] : memref<6400000xf32, #tpu.memory_space<hbm>> -> memref<4000xf32, #tpu.memory_space<hbm>>
    tpu.enqueue_dma source(%dma_start3A_11 : memref<4000xf32, #tpu.memory_space<hbm>>) target(%arg6 : memref<4000xf32, #tpu.memory_space<vmem>>) target_semaphore(%arg36 : memref<!tpu.dma_semaphore, #tpu.memory_space<semaphore_mem>>)
    %dma_start3A_12 = tpu.memref_slice %arg3[%add3A_9] : memref<6400000xf32, #tpu.memory_space<hbm>> -> memref<4000xf32, #tpu.memory_space<hbm>>
    %dma_start3A_13 = tpu.memref_slice %arg3[%add3A_9] : memref<6400000xf32, #tpu.memory_space<hbm>> -> memref<4000xf32, #tpu.memory_space<hbm>>
    tpu.enqueue_dma source(%dma_start3A_13 : memref<4000xf32, #tpu.memory_space<hbm>>) target(%arg16 : memref<4000xf32, #tpu.memory_space<vmem>>) target_semaphore(%arg46 : memref<!tpu.dma_semaphore, #tpu.memory_space<semaphore_mem>>)
    %add3A_14 = arith.constant 8000 : i32
    %add3A_15 = arith.addi %mul3A_2, %add3A_14 : i32
    %dma_start3A_16 = tpu.memref_slice %arg2[%add3A_15] : memref<6400000xf32, #tpu.memory_space<hbm>> -> memref<4000xf32, #tpu.memory_space<hbm>>
    %dma_start3A_17 = tpu.memref_slice %arg2[%add3A_15] : memref<6400000xf32, #tpu.memory_space<hbm>> -> memref<4000xf32, #tpu.memory_space<hbm>>
    tpu.enqueue_dma source(%dma_start3A_17 : memref<4000xf32, #tpu.memory_space<hbm>>) target(%arg7 : memref<4000xf32, #tpu.memory_space<vmem>>) target_semaphore(%arg37 : memref<!tpu.dma_semaphore, #tpu.memory_space<semaphore_mem>>)
    %dma_start3A_18 = tpu.memref_slice %arg3[%add3A_15] : memref<6400000xf32, #tpu.memory_space<hbm>> -> memref<4000xf32, #tpu.memory_space<hbm>>
    %dma_start3A_19 = tpu.memref_slice %arg3[%add3A_15] : memref<6400000xf32, #tpu.memory_space<hbm>> -> memref<4000xf32, #tpu.memory_space<hbm>>
    tpu.enqueue_dma source(%dma_start3A_19 : memref<4000xf32, #tpu.memory_space<hbm>>) target(%arg17 : memref<4000xf32, #tpu.memory_space<vmem>>) target_semaphore(%arg47 : memref<!tpu.dma_semaphore, #tpu.memory_space<semaphore_mem>>)
    %add3A_20 = arith.constant 12000 : i32
    %add3A_21 = arith.addi %mul3A_2, %add3A_20 : i32
    %dma_start3A_22 = tpu.memref_slice %arg2[%add3A_21] : memref<6400000xf32, #tpu.memory_space<hbm>> -> memref<4000xf32, #tpu.memory_space<hbm>>
    %dma_start3A_23 = tpu.memref_slice %arg2[%add3A_21] : memref<6400000xf32, #tpu.memory_space<hbm>> -> memref<4000xf32, #tpu.memory_space<hbm>>
    tpu.enqueue_dma source(%dma_start3A_23 : memref<4000xf32, #tpu.memory_space<hbm>>) target(%arg8 : memref<4000xf32, #tpu.memory_space<vmem>>) target_semaphore(%arg38 : memref<!tpu.dma_semaphore, #tpu.memory_space<semaphore_mem>>)
    %dma_start3A_24 = tpu.memref_slice %arg3[%add3A_21] : memref<6400000xf32, #tpu.memory_space<hbm>> -> memref<4000xf32, #tpu.memory_space<hbm>>
    %dma_start3A_25 = tpu.memref_slice %arg3[%add3A_21] : memref<6400000xf32, #tpu.memory_space<hbm>> -> memref<4000xf32, #tpu.memory_space<hbm>>
    tpu.enqueue_dma source(%dma_start3A_25 : memref<4000xf32, #tpu.memory_space<hbm>>) target(%arg18 : memref<4000xf32, #tpu.memory_space<vmem>>) target_semaphore(%arg48 : memref<!tpu.dma_semaphore, #tpu.memory_space<semaphore_mem>>)
    %add3A_26 = arith.constant 16000 : i32
    %add3A_27 = arith.addi %mul3A_2, %add3A_26 : i32
    %dma_start3A_28 = tpu.memref_slice %arg2[%add3A_27] : memref<6400000xf32, #tpu.memory_space<hbm>> -> memref<4000xf32, #tpu.memory_space<hbm>>
    %dma_start3A_29 = tpu.memref_slice %arg2[%add3A_27] : memref<6400000xf32, #tpu.memory_space<hbm>> -> memref<4000xf32, #tpu.memory_space<hbm>>
    tpu.enqueue_dma source(%dma_start3A_29 : memref<4000xf32, #tpu.memory_space<hbm>>) target(%arg9 : memref<4000xf32, #tpu.memory_space<vmem>>) target_semaphore(%arg39 : memref<!tpu.dma_semaphore, #tpu.memory_space<semaphore_mem>>)
    %dma_start3A_30 = tpu.memref_slice %arg3[%add3A_27] : memref<6400000xf32, #tpu.memory_space<hbm>> -> memref<4000xf32, #tpu.memory_space<hbm>>
    %dma_start3A_31 = tpu.memref_slice %arg3[%add3A_27] : memref<6400000xf32, #tpu.memory_space<hbm>> -> memref<4000xf32, #tpu.memory_space<hbm>>
    tpu.enqueue_dma source(%dma_start3A_31 : memref<4000xf32, #tpu.memory_space<hbm>>) target(%arg19 : memref<4000xf32, #tpu.memory_space<vmem>>) target_semaphore(%arg49 : memref<!tpu.dma_semaphore, #tpu.memory_space<semaphore_mem>>)
    %add3A_32 = arith.constant 20000 : i32
    %add3A_33 = arith.addi %mul3A_2, %add3A_32 : i32
    %dma_start3A_34 = tpu.memref_slice %arg2[%add3A_33] : memref<6400000xf32, #tpu.memory_space<hbm>> -> memref<4000xf32, #tpu.memory_space<hbm>>
    %dma_start3A_35 = tpu.memref_slice %arg2[%add3A_33] : memref<6400000xf32, #tpu.memory_space<hbm>> -> memref<4000xf32, #tpu.memory_space<hbm>>
    tpu.enqueue_dma source(%dma_start3A_35 : memref<4000xf32, #tpu.memory_space<hbm>>) target(%arg10 : memref<4000xf32, #tpu.memory_space<vmem>>) target_semaphore(%arg40 : memref<!tpu.dma_semaphore, #tpu.memory_space<semaphore_mem>>)
    %dma_start3A_36 = tpu.memref_slice %arg3[%add3A_33] : memref<6400000xf32, #tpu.memory_space<hbm>> -> memref<4000xf32, #tpu.memory_space<hbm>>
    %dma_start3A_37 = tpu.memref_slice %arg3[%add3A_33] : memref<6400000xf32, #tpu.memory_space<hbm>> -> memref<4000xf32, #tpu.memory_space<hbm>>
    tpu.enqueue_dma source(%dma_start3A_37 : memref<4000xf32, #tpu.memory_space<hbm>>) target(%arg20 : memref<4000xf32, #tpu.memory_space<vmem>>) target_semaphore(%arg50 : memref<!tpu.dma_semaphore, #tpu.memory_space<semaphore_mem>>)
    %add3A_38 = arith.constant 24000 : i32
    %add3A_39 = arith.addi %mul3A_2, %add3A_38 : i32
    %dma_start3A_40 = tpu.memref_slice %arg2[%add3A_39] : memref<6400000xf32, #tpu.memory_space<hbm>> -> memref<4000xf32, #tpu.memory_space<hbm>>
    %dma_start3A_41 = tpu.memref_slice %arg2[%add3A_39] : memref<6400000xf32, #tpu.memory_space<hbm>> -> memref<4000xf32, #tpu.memory_space<hbm>>
    tpu.enqueue_dma source(%dma_start3A_41 : memref<4000xf32, #tpu.memory_space<hbm>>) target(%arg11 : memref<4000xf32, #tpu.memory_space<vmem>>) target_semaphore(%arg41 : memref<!tpu.dma_semaphore, #tpu.memory_space<semaphore_mem>>)
    %dma_start3A_42 = tpu.memref_slice %arg3[%add3A_39] : memref<6400000xf32, #tpu.memory_space<hbm>> -> memref<4000xf32, #tpu.memory_space<hbm>>
    %dma_start3A_43 = tpu.memref_slice %arg3[%add3A_39] : memref<6400000xf32, #tpu.memory_space<hbm>> -> memref<4000xf32, #tpu.memory_space<hbm>>
    tpu.enqueue_dma source(%dma_start3A_43 : memref<4000xf32, #tpu.memory_space<hbm>>) target(%arg21 : memref<4000xf32, #tpu.memory_space<vmem>>) target_semaphore(%arg51 : memref<!tpu.dma_semaphore, #tpu.memory_space<semaphore_mem>>)
    %add3A_44 = arith.constant 28000 : i32
    %add3A_45 = arith.addi %mul3A_2, %add3A_44 : i32
    %dma_start3A_46 = tpu.memref_slice %arg2[%add3A_45] : memref<6400000xf32, #tpu.memory_space<hbm>> -> memref<4000xf32, #tpu.memory_space<hbm>>
    %dma_start3A_47 = tpu.memref_slice %arg2[%add3A_45] : memref<6400000xf32, #tpu.memory_space<hbm>> -> memref<4000xf32, #tpu.memory_space<hbm>>
    tpu.enqueue_dma source(%dma_start3A_47 : memref<4000xf32, #tpu.memory_space<hbm>>) target(%arg12 : memref<4000xf32, #tpu.memory_space<vmem>>) target_semaphore(%arg42 : memref<!tpu.dma_semaphore, #tpu.memory_space<semaphore_mem>>)
    %dma_start3A_48 = tpu.memref_slice %arg3[%add3A_45] : memref<6400000xf32, #tpu.memory_space<hbm>> -> memref<4000xf32, #tpu.memory_space<hbm>>
    %dma_start3A_49 = tpu.memref_slice %arg3[%add3A_45] : memref<6400000xf32, #tpu.memory_space<hbm>> -> memref<4000xf32, #tpu.memory_space<hbm>>
    tpu.enqueue_dma source(%dma_start3A_49 : memref<4000xf32, #tpu.memory_space<hbm>>) target(%arg22 : memref<4000xf32, #tpu.memory_space<vmem>>) target_semaphore(%arg52 : memref<!tpu.dma_semaphore, #tpu.memory_space<semaphore_mem>>)
    %add3A_50 = arith.constant 32000 : i32
    %add3A_51 = arith.addi %mul3A_2, %add3A_50 : i32
    %dma_start3A_52 = tpu.memref_slice %arg2[%add3A_51] : memref<6400000xf32, #tpu.memory_space<hbm>> -> memref<4000xf32, #tpu.memory_space<hbm>>
    %dma_start3A_53 = tpu.memref_slice %arg2[%add3A_51] : memref<6400000xf32, #tpu.memory_space<hbm>> -> memref<4000xf32, #tpu.memory_space<hbm>>
    tpu.enqueue_dma source(%dma_start3A_53 : memref<4000xf32, #tpu.memory_space<hbm>>) target(%arg13 : memref<4000xf32, #tpu.memory_space<vmem>>) target_semaphore(%arg43 : memref<!tpu.dma_semaphore, #tpu.memory_space<semaphore_mem>>)
    %dma_start3A_54 = tpu.memref_slice %arg3[%add3A_51] : memref<6400000xf32, #tpu.memory_space<hbm>> -> memref<4000xf32, #tpu.memory_space<hbm>>
    %dma_start3A_55 = tpu.memref_slice %arg3[%add3A_51] : memref<6400000xf32, #tpu.memory_space<hbm>> -> memref<4000xf32, #tpu.memory_space<hbm>>
    tpu.enqueue_dma source(%dma_start3A_55 : memref<4000xf32, #tpu.memory_space<hbm>>) target(%arg23 : memref<4000xf32, #tpu.memory_space<vmem>>) target_semaphore(%arg53 : memref<!tpu.dma_semaphore, #tpu.memory_space<semaphore_mem>>)
    %add3A_56 = arith.constant 36000 : i32
    %add3A_57 = arith.addi %mul3A_2, %add3A_56 : i32
    %dma_start3A_58 = tpu.memref_slice %arg2[%add3A_57] : memref<6400000xf32, #tpu.memory_space<hbm>> -> memref<4000xf32, #tpu.memory_space<hbm>>
    %dma_start3A_59 = tpu.memref_slice %arg2[%add3A_57] : memref<6400000xf32, #tpu.memory_space<hbm>> -> memref<4000xf32, #tpu.memory_space<hbm>>
    tpu.enqueue_dma source(%dma_start3A_59 : memref<4000xf32, #tpu.memory_space<hbm>>) target(%arg14 : memref<4000xf32, #tpu.memory_space<vmem>>) target_semaphore(%arg44 : memref<!tpu.dma_semaphore, #tpu.memory_space<semaphore_mem>>)
    %dma_start3A_60 = tpu.memref_slice %arg3[%add3A_57] : memref<6400000xf32, #tpu.memory_space<hbm>> -> memref<4000xf32, #tpu.memory_space<hbm>>
    %dma_start3A_61 = tpu.memref_slice %arg3[%add3A_57] : memref<6400000xf32, #tpu.memory_space<hbm>> -> memref<4000xf32, #tpu.memory_space<hbm>>
    tpu.enqueue_dma source(%dma_start3A_61 : memref<4000xf32, #tpu.memory_space<hbm>>) target(%arg24 : memref<4000xf32, #tpu.memory_space<vmem>>) target_semaphore(%arg54 : memref<!tpu.dma_semaphore, #tpu.memory_space<semaphore_mem>>)
    %scan3A = arith.constant 0 : i32
    %scan3A_62 = arith.constant 0 : i32
    %scan3A_63 = arith.constant 5 : i32
    %scan3A_64 = arith.addi %scan3A_62, %scan3A_63 : i32
    %scan3A_65 = arith.constant 1 : i32
    scf.for %scan3A_106 = %scan3A_62 to %scan3A_64 step %scan3A_65  : i32 {
      %mul3A_107 = arith.constant 10 : i32
      %mul3A_108 = arith.muli %scan3A_106, %mul3A_107 : i32
      %add3A_109 = arith.constant 0 : i32
      %add3A_110 = arith.addi %mul3A_108, %add3A_109 : i32
      %mul3A_111 = arith.constant 4000 : i32
      %mul3A_112 = arith.muli %add3A_110, %mul3A_111 : i32
      %add3A_113 = arith.addi %mul3A_2, %mul3A_112 : i32
      %dma_wait3A_114 = tpu.memref_slice %arg2[%add3A_113] : memref<6400000xf32, #tpu.memory_space<hbm>> -> memref<4000xf32, #tpu.memory_space<hbm>>
      %dma_wait3A_115 = tpu.memref_slice %arg2[%add3A_113] : memref<6400000xf32, #tpu.memory_space<hbm>> -> memref<4000xf32, #tpu.memory_space<hbm>>
      tpu.wait_dma2 semaphore(%arg35 : memref<!tpu.dma_semaphore, #tpu.memory_space<semaphore_mem>>) src(%dma_wait3A_115 : memref<4000xf32, #tpu.memory_space<hbm>>) dst(%arg5 : memref<4000xf32, #tpu.memory_space<vmem>>)
      %dma_wait3A_116 = tpu.memref_slice %arg3[%add3A_113] : memref<6400000xf32, #tpu.memory_space<hbm>> -> memref<4000xf32, #tpu.memory_space<hbm>>
      %dma_wait3A_117 = tpu.memref_slice %arg3[%add3A_113] : memref<6400000xf32, #tpu.memory_space<hbm>> -> memref<4000xf32, #tpu.memory_space<hbm>>
      tpu.wait_dma2 semaphore(%arg45 : memref<!tpu.dma_semaphore, #tpu.memory_space<semaphore_mem>>) src(%dma_wait3A_117 : memref<4000xf32, #tpu.memory_space<hbm>>) dst(%arg15 : memref<4000xf32, #tpu.memory_space<vmem>>)
      %gt3A = arith.constant 0 : i32
      %gt3A_118 = arith.cmpi sgt, %scan3A_106, %gt3A : i32
      %convert_element_type3A = arith.extui %gt3A_118 : i1 to i32
      %cond3A = arith.constant 0 : i32
      %cond3A_119 = arith.cmpi ne, %convert_element_type3A, %cond3A : i32
      scf.if %cond3A_119 {
        %mul3A_392 = arith.constant 4000 : i32
        %mul3A_393 = arith.muli %add3A_110, %mul3A_392 : i32
        %add3A_394 = arith.addi %mul3A_2, %mul3A_393 : i32
        %dma_wait3A_395 = tpu.memref_slice %arg4[%add3A_394] : memref<6400000xf32, #tpu.memory_space<hbm>> -> memref<4000xf32, #tpu.memory_space<hbm>>
        %dma_wait3A_396 = tpu.memref_slice %arg4[%add3A_394] : memref<6400000xf32, #tpu.memory_space<hbm>> -> memref<4000xf32, #tpu.memory_space<hbm>>
        tpu.wait_dma2 semaphore(%arg55 : memref<!tpu.dma_semaphore, #tpu.memory_space<semaphore_mem>>) src(%arg25 : memref<4000xf32, #tpu.memory_space<vmem>>) dst(%dma_wait3A_396 : memref<4000xf32, #tpu.memory_space<hbm>>)
      } else {
      }
      %parallel_loop3A = arith.constant 0 : i32
      %parallel_loop3A_120 = arith.constant 4000 : i32
      %parallel_loop3A_121 = arith.constant 16 : i32
      scf.for %parallel_loop3A_392 = %parallel_loop3A to %parallel_loop3A_120 step %parallel_loop3A_121  : i32 {
        %parallel_loop3A_393 = arith.index_cast %parallel_loop3A_392 : i32 to index
        %parallel_loop3A_394 = tpu.vector_load %arg5[%parallel_loop3A_393] {strides = array<i32>} : memref<4000xf32, #tpu.memory_space<vmem>>, vector<16xf32>,
        %parallel_loop3A_395 = vector.shape_cast %parallel_loop3A_394 : vector<16xf32> to vector<16xf32>
        %parallel_loop3A_396 = arith.index_cast %parallel_loop3A_392 : i32 to index
        %parallel_loop3A_397 = tpu.vector_load %arg15[%parallel_loop3A_396] {strides = array<i32>} : memref<4000xf32, #tpu.memory_space<vmem>>, vector<16xf32>,
        %parallel_loop3A_398 = vector.shape_cast %parallel_loop3A_397 : vector<16xf32> to vector<16xf32>
        %parallel_loop3A_399 = arith.constant 2.000000e-01 : f32
        %parallel_loop3A_400 = vector.broadcast %parallel_loop3A_399 : f32 to vector<16xf32>
        %parallel_loop3A_401 = arith.cmpf ogt, %parallel_loop3A_398, %parallel_loop3A_400 : vector<16xf32>
        %parallel_loop3A_402 = arith.constant 1.250000e+00 : f32
        %parallel_loop3A_403 = vector.broadcast %parallel_loop3A_402 : f32 to vector<16xf32>
        %parallel_loop3A_404 = arith.mulf %parallel_loop3A_395, %parallel_loop3A_403 : vector<16xf32>
        %parallel_loop3A_405 = arith.constant 0.000000e+00 : f32
        %parallel_loop3A_406 = vector.broadcast %parallel_loop3A_405 : f32 to vector<16xf32>
        %parallel_loop3A_407 = arith.select %parallel_loop3A_401, %parallel_loop3A_404, %parallel_loop3A_406 : vector<16xi1>, vector<16xf32>
        %parallel_loop3A_408 = arith.index_cast %parallel_loop3A_392 : i32 to index
        %parallel_loop3A_409 = tpu.vector_load %arg25[%parallel_loop3A_408] {strides = array<i32>} : memref<4000xf32, #tpu.memory_space<vmem>>, vector<16xf32>,
        %parallel_loop3A_410 = vector.shape_cast %parallel_loop3A_409 : vector<16xf32> to vector<16xf32>
        %parallel_loop3A_411 = vector.shape_cast %parallel_loop3A_407 : vector<16xf32> to vector<16xf32>
        tpu.vector_store %arg25[%parallel_loop3A_408], %parallel_loop3A_411 {strides = array<i32>} : memref<4000xf32, #tpu.memory_space<vmem>>, vector<16xf32>,
      } {sc.loop_unroll_factor = 4 : i64, sc.parallel_access}
      %mul3A_122 = arith.constant 4000 : i32
      %mul3A_123 = arith.muli %add3A_110, %mul3A_122 : i32
      %add3A_124 = arith.addi %mul3A_2, %mul3A_123 : i32
      %dma_start3A_125 = tpu.memref_slice %arg4[%add3A_124] : memref<6400000xf32, #tpu.memory_space<hbm>> -> memref<4000xf32, #tpu.memory_space<hbm>>
      %dma_start3A_126 = tpu.memref_slice %arg4[%add3A_124] : memref<6400000xf32, #tpu.memory_space<hbm>> -> memref<4000xf32, #tpu.memory_space<hbm>>
      tpu.enqueue_dma source(%arg25 : memref<4000xf32, #tpu.memory_space<vmem>>) target(%dma_start3A_126 : memref<4000xf32, #tpu.memory_space<hbm>>) target_semaphore(%arg55 : memref<!tpu.dma_semaphore, #tpu.memory_space<semaphore_mem>>)
      %lt3A = arith.constant 4 : i32
      %lt3A_127 = arith.cmpi slt, %scan3A_106, %lt3A : i32
      %convert_element_type3A_128 = arith.extui %lt3A_127 : i1 to i32
      %cond3A_129 = arith.constant 0 : i32
      %cond3A_130 = arith.cmpi ne, %convert_element_type3A_128, %cond3A_129 : i32
      scf.if %cond3A_130 {
        %add3A_392 = arith.constant 10 : i32
        %add3A_393 = arith.addi %add3A_110, %add3A_392 : i32
        %mul3A_394 = arith.constant 4000 : i32
        %mul3A_395 = arith.muli %add3A_393, %mul3A_394 : i32
        %add3A_396 = arith.addi %mul3A_2, %mul3A_395 : i32
        %dma_start3A_397 = tpu.memref_slice %arg2[%add3A_396] : memref<6400000xf32, #tpu.memory_space<hbm>> -> memref<4000xf32, #tpu.memory_space<hbm>>
        %dma_start3A_398 = tpu.memref_slice %arg2[%add3A_396] : memref<6400000xf32, #tpu.memory_space<hbm>> -> memref<4000xf32, #tpu.memory_space<hbm>>
        tpu.enqueue_dma source(%dma_start3A_398 : memref<4000xf32, #tpu.memory_space<hbm>>) target(%arg5 : memref<4000xf32, #tpu.memory_space<vmem>>) target_semaphore(%arg35 : memref<!tpu.dma_semaphore, #tpu.memory_space<semaphore_mem>>)
        %dma_start3A_399 = tpu.memref_slice %arg3[%add3A_396] : memref<6400000xf32, #tpu.memory_space<hbm>> -> memref<4000xf32, #tpu.memory_space<hbm>>
        %dma_start3A_400 = tpu.memref_slice %arg3[%add3A_396] : memref<6400000xf32, #tpu.memory_space<hbm>> -> memref<4000xf32, #tpu.memory_space<hbm>>
        tpu.enqueue_dma source(%dma_start3A_400 : memref<4000xf32, #tpu.memory_space<hbm>>) target(%arg15 : memref<4000xf32, #tpu.memory_space<vmem>>) target_semaphore(%arg45 : memref<!tpu.dma_semaphore, #tpu.memory_space<semaphore_mem>>)
      } else {
      }
      %mul3A_131 = arith.constant 10 : i32
      %mul3A_132 = arith.muli %scan3A_106, %mul3A_131 : i32
      %add3A_133 = arith.constant 1 : i32
      %add3A_134 = arith.addi %mul3A_132, %add3A_133 : i32
      %mul3A_135 = arith.constant 4000 : i32
      %mul3A_136 = arith.muli %add3A_134, %mul3A_135 : i32
      %add3A_137 = arith.addi %mul3A_2, %mul3A_136 : i32
      %dma_wait3A_138 = tpu.memref_slice %arg2[%add3A_137] : memref<6400000xf32, #tpu.memory_space<hbm>> -> memref<4000xf32, #tpu.memory_space<hbm>>
      %dma_wait3A_139 = tpu.memref_slice %arg2[%add3A_137] : memref<6400000xf32, #tpu.memory_space<hbm>> -> memref<4000xf32, #tpu.memory_space<hbm>>
      tpu.wait_dma2 semaphore(%arg36 : memref<!tpu.dma_semaphore, #tpu.memory_space<semaphore_mem>>) src(%dma_wait3A_139 : memref<4000xf32, #tpu.memory_space<hbm>>) dst(%arg6 : memref<4000xf32, #tpu.memory_space<vmem>>)
      %dma_wait3A_140 = tpu.memref_slice %arg3[%add3A_137] : memref<6400000xf32, #tpu.memory_space<hbm>> -> memref<4000xf32, #tpu.memory_space<hbm>>
      %dma_wait3A_141 = tpu.memref_slice %arg3[%add3A_137] : memref<6400000xf32, #tpu.memory_space<hbm>> -> memref<4000xf32, #tpu.memory_space<hbm>>
      tpu.wait_dma2 semaphore(%arg46 : memref<!tpu.dma_semaphore, #tpu.memory_space<semaphore_mem>>) src(%dma_wait3A_141 : memref<4000xf32, #tpu.memory_space<hbm>>) dst(%arg16 : memref<4000xf32, #tpu.memory_space<vmem>>)
      %gt3A_142 = arith.constant 0 : i32
      %gt3A_143 = arith.cmpi sgt, %scan3A_106, %gt3A_142 : i32
      %convert_element_type3A_144 = arith.extui %gt3A_143 : i1 to i32
      %cond3A_145 = arith.constant 0 : i32
      %cond3A_146 = arith.cmpi ne, %convert_element_type3A_144, %cond3A_145 : i32
      scf.if %cond3A_146 {
        %mul3A_392 = arith.constant 4000 : i32
        %mul3A_393 = arith.muli %add3A_134, %mul3A_392 : i32
        %add3A_394 = arith.addi %mul3A_2, %mul3A_393 : i32
        %dma_wait3A_395 = tpu.memref_slice %arg4[%add3A_394] : memref<6400000xf32, #tpu.memory_space<hbm>> -> memref<4000xf32, #tpu.memory_space<hbm>>
        %dma_wait3A_396 = tpu.memref_slice %arg4[%add3A_394] : memref<6400000xf32, #tpu.memory_space<hbm>> -> memref<4000xf32, #tpu.memory_space<hbm>>
        tpu.wait_dma2 semaphore(%arg56 : memref<!tpu.dma_semaphore, #tpu.memory_space<semaphore_mem>>) src(%arg26 : memref<4000xf32, #tpu.memory_space<vmem>>) dst(%dma_wait3A_396 : memref<4000xf32, #tpu.memory_space<hbm>>)
      } else {
      }
      %parallel_loop3A_147 = arith.constant 0 : i32
      %parallel_loop3A_148 = arith.constant 4000 : i32
      %parallel_loop3A_149 = arith.constant 16 : i32
      scf.for %parallel_loop3A_392 = %parallel_loop3A_147 to %parallel_loop3A_148 step %parallel_loop3A_149  : i32 {
        %parallel_loop3A_393 = arith.index_cast %parallel_loop3A_392 : i32 to index
        %parallel_loop3A_394 = tpu.vector_load %arg6[%parallel_loop3A_393] {strides = array<i32>} : memref<4000xf32, #tpu.memory_space<vmem>>, vector<16xf32>,
        %parallel_loop3A_395 = vector.shape_cast %parallel_loop3A_394 : vector<16xf32> to vector<16xf32>
        %parallel_loop3A_396 = arith.index_cast %parallel_loop3A_392 : i32 to index
        %parallel_loop3A_397 = tpu.vector_load %arg16[%parallel_loop3A_396] {strides = array<i32>} : memref<4000xf32, #tpu.memory_space<vmem>>, vector<16xf32>,
        %parallel_loop3A_398 = vector.shape_cast %parallel_loop3A_397 : vector<16xf32> to vector<16xf32>
        %parallel_loop3A_399 = arith.constant 2.000000e-01 : f32
        %parallel_loop3A_400 = vector.broadcast %parallel_loop3A_399 : f32 to vector<16xf32>
        %parallel_loop3A_401 = arith.cmpf ogt, %parallel_loop3A_398, %parallel_loop3A_400 : vector<16xf32>
        %parallel_loop3A_402 = arith.constant 1.250000e+00 : f32
        %parallel_loop3A_403 = vector.broadcast %parallel_loop3A_402 : f32 to vector<16xf32>
        %parallel_loop3A_404 = arith.mulf %parallel_loop3A_395, %parallel_loop3A_403 : vector<16xf32>
        %parallel_loop3A_405 = arith.constant 0.000000e+00 : f32
        %parallel_loop3A_406 = vector.broadcast %parallel_loop3A_405 : f32 to vector<16xf32>
        %parallel_loop3A_407 = arith.select %parallel_loop3A_401, %parallel_loop3A_404, %parallel_loop3A_406 : vector<16xi1>, vector<16xf32>
        %parallel_loop3A_408 = arith.index_cast %parallel_loop3A_392 : i32 to index
        %parallel_loop3A_409 = tpu.vector_load %arg26[%parallel_loop3A_408] {strides = array<i32>} : memref<4000xf32, #tpu.memory_space<vmem>>, vector<16xf32>,
        %parallel_loop3A_410 = vector.shape_cast %parallel_loop3A_409 : vector<16xf32> to vector<16xf32>
        %parallel_loop3A_411 = vector.shape_cast %parallel_loop3A_407 : vector<16xf32> to vector<16xf32>
        tpu.vector_store %arg26[%parallel_loop3A_408], %parallel_loop3A_411 {strides = array<i32>} : memref<4000xf32, #tpu.memory_space<vmem>>, vector<16xf32>,
      } {sc.loop_unroll_factor = 4 : i64, sc.parallel_access}
      %mul3A_150 = arith.constant 4000 : i32
      %mul3A_151 = arith.muli %add3A_134, %mul3A_150 : i32
      %add3A_152 = arith.addi %mul3A_2, %mul3A_151 : i32
      %dma_start3A_153 = tpu.memref_slice %arg4[%add3A_152] : memref<6400000xf32, #tpu.memory_space<hbm>> -> memref<4000xf32, #tpu.memory_space<hbm>>
      %dma_start3A_154 = tpu.memref_slice %arg4[%add3A_152] : memref<6400000xf32, #tpu.memory_space<hbm>> -> memref<4000xf32, #tpu.memory_space<hbm>>
      tpu.enqueue_dma source(%arg26 : memref<4000xf32, #tpu.memory_space<vmem>>) target(%dma_start3A_154 : memref<4000xf32, #tpu.memory_space<hbm>>) target_semaphore(%arg56 : memref<!tpu.dma_semaphore, #tpu.memory_space<semaphore_mem>>)
      %lt3A_155 = arith.constant 4 : i32
      %lt3A_156 = arith.cmpi slt, %scan3A_106, %lt3A_155 : i32
      %convert_element_type3A_157 = arith.extui %lt3A_156 : i1 to i32
      %cond3A_158 = arith.constant 0 : i32
      %cond3A_159 = arith.cmpi ne, %convert_element_type3A_157, %cond3A_158 : i32
      scf.if %cond3A_159 {
        %add3A_392 = arith.constant 10 : i32
        %add3A_393 = arith.addi %add3A_134, %add3A_392 : i32
        %mul3A_394 = arith.constant 4000 : i32
        %mul3A_395 = arith.muli %add3A_393, %mul3A_394 : i32
        %add3A_396 = arith.addi %mul3A_2, %mul3A_395 : i32
        %dma_start3A_397 = tpu.memref_slice %arg2[%add3A_396] : memref<6400000xf32, #tpu.memory_space<hbm>> -> memref<4000xf32, #tpu.memory_space<hbm>>
        %dma_start3A_398 = tpu.memref_slice %arg2[%add3A_396] : memref<6400000xf32, #tpu.memory_space<hbm>> -> memref<4000xf32, #tpu.memory_space<hbm>>
        tpu.enqueue_dma source(%dma_start3A_398 : memref<4000xf32, #tpu.memory_space<hbm>>) target(%arg6 : memref<4000xf32, #tpu.memory_space<vmem>>) target_semaphore(%arg36 : memref<!tpu.dma_semaphore, #tpu.memory_space<semaphore_mem>>)
        %dma_start3A_399 = tpu.memref_slice %arg3[%add3A_396] : memref<6400000xf32, #tpu.memory_space<hbm>> -> memref<4000xf32, #tpu.memory_space<hbm>>
        %dma_start3A_400 = tpu.memref_slice %arg3[%add3A_396] : memref<6400000xf32, #tpu.memory_space<hbm>> -> memref<4000xf32, #tpu.memory_space<hbm>>
        tpu.enqueue_dma source(%dma_start3A_400 : memref<4000xf32, #tpu.memory_space<hbm>>) target(%arg16 : memref<4000xf32, #tpu.memory_space<vmem>>) target_semaphore(%arg46 : memref<!tpu.dma_semaphore, #tpu.memory_space<semaphore_mem>>)
      } else {
      }
      %mul3A_160 = arith.constant 10 : i32
      %mul3A_161 = arith.muli %scan3A_106, %mul3A_160 : i32
      %add3A_162 = arith.constant 2 : i32
      %add3A_163 = arith.addi %mul3A_161, %add3A_162 : i32
      %mul3A_164 = arith.constant 4000 : i32
      %mul3A_165 = arith.muli %add3A_163, %mul3A_164 : i32
      %add3A_166 = arith.addi %mul3A_2, %mul3A_165 : i32
      %dma_wait3A_167 = tpu.memref_slice %arg2[%add3A_166] : memref<6400000xf32, #tpu.memory_space<hbm>> -> memref<4000xf32, #tpu.memory_space<hbm>>
      %dma_wait3A_168 = tpu.memref_slice %arg2[%add3A_166] : memref<6400000xf32, #tpu.memory_space<hbm>> -> memref<4000xf32, #tpu.memory_space<hbm>>
      tpu.wait_dma2 semaphore(%arg37 : memref<!tpu.dma_semaphore, #tpu.memory_space<semaphore_mem>>) src(%dma_wait3A_168 : memref<4000xf32, #tpu.memory_space<hbm>>) dst(%arg7 : memref<4000xf32, #tpu.memory_space<vmem>>)
      %dma_wait3A_169 = tpu.memref_slice %arg3[%add3A_166] : memref<6400000xf32, #tpu.memory_space<hbm>> -> memref<4000xf32, #tpu.memory_space<hbm>>
      %dma_wait3A_170 = tpu.memref_slice %arg3[%add3A_166] : memref<6400000xf32, #tpu.memory_space<hbm>> -> memref<4000xf32, #tpu.memory_space<hbm>>
      tpu.wait_dma2 semaphore(%arg47 : memref<!tpu.dma_semaphore, #tpu.memory_space<semaphore_mem>>) src(%dma_wait3A_170 : memref<4000xf32, #tpu.memory_space<hbm>>) dst(%arg17 : memref<4000xf32, #tpu.memory_space<vmem>>)
      %gt3A_171 = arith.constant 0 : i32
      %gt3A_172 = arith.cmpi sgt, %scan3A_106, %gt3A_171 : i32
      %convert_element_type3A_173 = arith.extui %gt3A_172 : i1 to i32
      %cond3A_174 = arith.constant 0 : i32
      %cond3A_175 = arith.cmpi ne, %convert_element_type3A_173, %cond3A_174 : i32
      scf.if %cond3A_175 {
        %mul3A_392 = arith.constant 4000 : i32
        %mul3A_393 = arith.muli %add3A_163, %mul3A_392 : i32
        %add3A_394 = arith.addi %mul3A_2, %mul3A_393 : i32
        %dma_wait3A_395 = tpu.memref_slice %arg4[%add3A_394] : memref<6400000xf32, #tpu.memory_space<hbm>> -> memref<4000xf32, #tpu.memory_space<hbm>>
        %dma_wait3A_396 = tpu.memref_slice %arg4[%add3A_394] : memref<6400000xf32, #tpu.memory_space<hbm>> -> memref<4000xf32, #tpu.memory_space<hbm>>
        tpu.wait_dma2 semaphore(%arg57 : memref<!tpu.dma_semaphore, #tpu.memory_space<semaphore_mem>>) src(%arg27 : memref<4000xf32, #tpu.memory_space<vmem>>) dst(%dma_wait3A_396 : memref<4000xf32, #tpu.memory_space<hbm>>)
      } else {
      }
      %parallel_loop3A_176 = arith.constant 0 : i32
      %parallel_loop3A_177 = arith.constant 4000 : i32
      %parallel_loop3A_178 = arith.constant 16 : i32
      scf.for %parallel_loop3A_392 = %parallel_loop3A_176 to %parallel_loop3A_177 step %parallel_loop3A_178  : i32 {
        %parallel_loop3A_393 = arith.index_cast %parallel_loop3A_392 : i32 to index
        %parallel_loop3A_394 = tpu.vector_load %arg7[%parallel_loop3A_393] {strides = array<i32>} : memref<4000xf32, #tpu.memory_space<vmem>>, vector<16xf32>,
        %parallel_loop3A_395 = vector.shape_cast %parallel_loop3A_394 : vector<16xf32> to vector<16xf32>
        %parallel_loop3A_396 = arith.index_cast %parallel_loop3A_392 : i32 to index
        %parallel_loop3A_397 = tpu.vector_load %arg17[%parallel_loop3A_396] {strides = array<i32>} : memref<4000xf32, #tpu.memory_space<vmem>>, vector<16xf32>,
        %parallel_loop3A_398 = vector.shape_cast %parallel_loop3A_397 : vector<16xf32> to vector<16xf32>
        %parallel_loop3A_399 = arith.constant 2.000000e-01 : f32
        %parallel_loop3A_400 = vector.broadcast %parallel_loop3A_399 : f32 to vector<16xf32>
        %parallel_loop3A_401 = arith.cmpf ogt, %parallel_loop3A_398, %parallel_loop3A_400 : vector<16xf32>
        %parallel_loop3A_402 = arith.constant 1.250000e+00 : f32
        %parallel_loop3A_403 = vector.broadcast %parallel_loop3A_402 : f32 to vector<16xf32>
        %parallel_loop3A_404 = arith.mulf %parallel_loop3A_395, %parallel_loop3A_403 : vector<16xf32>
        %parallel_loop3A_405 = arith.constant 0.000000e+00 : f32
        %parallel_loop3A_406 = vector.broadcast %parallel_loop3A_405 : f32 to vector<16xf32>
        %parallel_loop3A_407 = arith.select %parallel_loop3A_401, %parallel_loop3A_404, %parallel_loop3A_406 : vector<16xi1>, vector<16xf32>
        %parallel_loop3A_408 = arith.index_cast %parallel_loop3A_392 : i32 to index
        %parallel_loop3A_409 = tpu.vector_load %arg27[%parallel_loop3A_408] {strides = array<i32>} : memref<4000xf32, #tpu.memory_space<vmem>>, vector<16xf32>,
        %parallel_loop3A_410 = vector.shape_cast %parallel_loop3A_409 : vector<16xf32> to vector<16xf32>
        %parallel_loop3A_411 = vector.shape_cast %parallel_loop3A_407 : vector<16xf32> to vector<16xf32>
        tpu.vector_store %arg27[%parallel_loop3A_408], %parallel_loop3A_411 {strides = array<i32>} : memref<4000xf32, #tpu.memory_space<vmem>>, vector<16xf32>,
      } {sc.loop_unroll_factor = 4 : i64, sc.parallel_access}
      %mul3A_179 = arith.constant 4000 : i32
      %mul3A_180 = arith.muli %add3A_163, %mul3A_179 : i32
      %add3A_181 = arith.addi %mul3A_2, %mul3A_180 : i32
      %dma_start3A_182 = tpu.memref_slice %arg4[%add3A_181] : memref<6400000xf32, #tpu.memory_space<hbm>> -> memref<4000xf32, #tpu.memory_space<hbm>>
      %dma_start3A_183 = tpu.memref_slice %arg4[%add3A_181] : memref<6400000xf32, #tpu.memory_space<hbm>> -> memref<4000xf32, #tpu.memory_space<hbm>>
      tpu.enqueue_dma source(%arg27 : memref<4000xf32, #tpu.memory_space<vmem>>) target(%dma_start3A_183 : memref<4000xf32, #tpu.memory_space<hbm>>) target_semaphore(%arg57 : memref<!tpu.dma_semaphore, #tpu.memory_space<semaphore_mem>>)
      %lt3A_184 = arith.constant 4 : i32
      %lt3A_185 = arith.cmpi slt, %scan3A_106, %lt3A_184 : i32
      %convert_element_type3A_186 = arith.extui %lt3A_185 : i1 to i32
      %cond3A_187 = arith.constant 0 : i32
      %cond3A_188 = arith.cmpi ne, %convert_element_type3A_186, %cond3A_187 : i32
      scf.if %cond3A_188 {
        %add3A_392 = arith.constant 10 : i32
        %add3A_393 = arith.addi %add3A_163, %add3A_392 : i32
        %mul3A_394 = arith.constant 4000 : i32
        %mul3A_395 = arith.muli %add3A_393, %mul3A_394 : i32
        %add3A_396 = arith.addi %mul3A_2, %mul3A_395 : i32
        %dma_start3A_397 = tpu.memref_slice %arg2[%add3A_396] : memref<6400000xf32, #tpu.memory_space<hbm>> -> memref<4000xf32, #tpu.memory_space<hbm>>
        %dma_start3A_398 = tpu.memref_slice %arg2[%add3A_396] : memref<6400000xf32, #tpu.memory_space<hbm>> -> memref<4000xf32, #tpu.memory_space<hbm>>
        tpu.enqueue_dma source(%dma_start3A_398 : memref<4000xf32, #tpu.memory_space<hbm>>) target(%arg7 : memref<4000xf32, #tpu.memory_space<vmem>>) target_semaphore(%arg37 : memref<!tpu.dma_semaphore, #tpu.memory_space<semaphore_mem>>)
        %dma_start3A_399 = tpu.memref_slice %arg3[%add3A_396] : memref<6400000xf32, #tpu.memory_space<hbm>> -> memref<4000xf32, #tpu.memory_space<hbm>>
        %dma_start3A_400 = tpu.memref_slice %arg3[%add3A_396] : memref<6400000xf32, #tpu.memory_space<hbm>> -> memref<4000xf32, #tpu.memory_space<hbm>>
        tpu.enqueue_dma source(%dma_start3A_400 : memref<4000xf32, #tpu.memory_space<hbm>>) target(%arg17 : memref<4000xf32, #tpu.memory_space<vmem>>) target_semaphore(%arg47 : memref<!tpu.dma_semaphore, #tpu.memory_space<semaphore_mem>>)
      } else {
      }
      %mul3A_189 = arith.constant 10 : i32
      %mul3A_190 = arith.muli %scan3A_106, %mul3A_189 : i32
      %add3A_191 = arith.constant 3 : i32
      %add3A_192 = arith.addi %mul3A_190, %add3A_191 : i32
      %mul3A_193 = arith.constant 4000 : i32
      %mul3A_194 = arith.muli %add3A_192, %mul3A_193 : i32
      %add3A_195 = arith.addi %mul3A_2, %mul3A_194 : i32
      %dma_wait3A_196 = tpu.memref_slice %arg2[%add3A_195] : memref<6400000xf32, #tpu.memory_space<hbm>> -> memref<4000xf32, #tpu.memory_space<hbm>>
      %dma_wait3A_197 = tpu.memref_slice %arg2[%add3A_195] : memref<6400000xf32, #tpu.memory_space<hbm>> -> memref<4000xf32, #tpu.memory_space<hbm>>
      tpu.wait_dma2 semaphore(%arg38 : memref<!tpu.dma_semaphore, #tpu.memory_space<semaphore_mem>>) src(%dma_wait3A_197 : memref<4000xf32, #tpu.memory_space<hbm>>) dst(%arg8 : memref<4000xf32, #tpu.memory_space<vmem>>)
      %dma_wait3A_198 = tpu.memref_slice %arg3[%add3A_195] : memref<6400000xf32, #tpu.memory_space<hbm>> -> memref<4000xf32, #tpu.memory_space<hbm>>
      %dma_wait3A_199 = tpu.memref_slice %arg3[%add3A_195] : memref<6400000xf32, #tpu.memory_space<hbm>> -> memref<4000xf32, #tpu.memory_space<hbm>>
      tpu.wait_dma2 semaphore(%arg48 : memref<!tpu.dma_semaphore, #tpu.memory_space<semaphore_mem>>) src(%dma_wait3A_199 : memref<4000xf32, #tpu.memory_space<hbm>>) dst(%arg18 : memref<4000xf32, #tpu.memory_space<vmem>>)
      %gt3A_200 = arith.constant 0 : i32
      %gt3A_201 = arith.cmpi sgt, %scan3A_106, %gt3A_200 : i32
      %convert_element_type3A_202 = arith.extui %gt3A_201 : i1 to i32
      %cond3A_203 = arith.constant 0 : i32
      %cond3A_204 = arith.cmpi ne, %convert_element_type3A_202, %cond3A_203 : i32
      scf.if %cond3A_204 {
        %mul3A_392 = arith.constant 4000 : i32
        %mul3A_393 = arith.muli %add3A_192, %mul3A_392 : i32
        %add3A_394 = arith.addi %mul3A_2, %mul3A_393 : i32
        %dma_wait3A_395 = tpu.memref_slice %arg4[%add3A_394] : memref<6400000xf32, #tpu.memory_space<hbm>> -> memref<4000xf32, #tpu.memory_space<hbm>>
        %dma_wait3A_396 = tpu.memref_slice %arg4[%add3A_394] : memref<6400000xf32, #tpu.memory_space<hbm>> -> memref<4000xf32, #tpu.memory_space<hbm>>
        tpu.wait_dma2 semaphore(%arg58 : memref<!tpu.dma_semaphore, #tpu.memory_space<semaphore_mem>>) src(%arg28 : memref<4000xf32, #tpu.memory_space<vmem>>) dst(%dma_wait3A_396 : memref<4000xf32, #tpu.memory_space<hbm>>)
      } else {
      }
      %parallel_loop3A_205 = arith.constant 0 : i32
      %parallel_loop3A_206 = arith.constant 4000 : i32
      %parallel_loop3A_207 = arith.constant 16 : i32
      scf.for %parallel_loop3A_392 = %parallel_loop3A_205 to %parallel_loop3A_206 step %parallel_loop3A_207  : i32 {
        %parallel_loop3A_393 = arith.index_cast %parallel_loop3A_392 : i32 to index
        %parallel_loop3A_394 = tpu.vector_load %arg8[%parallel_loop3A_393] {strides = array<i32>} : memref<4000xf32, #tpu.memory_space<vmem>>, vector<16xf32>,
        %parallel_loop3A_395 = vector.shape_cast %parallel_loop3A_394 : vector<16xf32> to vector<16xf32>
        %parallel_loop3A_396 = arith.index_cast %parallel_loop3A_392 : i32 to index
        %parallel_loop3A_397 = tpu.vector_load %arg18[%parallel_loop3A_396] {strides = array<i32>} : memref<4000xf32, #tpu.memory_space<vmem>>, vector<16xf32>,
        %parallel_loop3A_398 = vector.shape_cast %parallel_loop3A_397 : vector<16xf32> to vector<16xf32>
        %parallel_loop3A_399 = arith.constant 2.000000e-01 : f32
        %parallel_loop3A_400 = vector.broadcast %parallel_loop3A_399 : f32 to vector<16xf32>
        %parallel_loop3A_401 = arith.cmpf ogt, %parallel_loop3A_398, %parallel_loop3A_400 : vector<16xf32>
        %parallel_loop3A_402 = arith.constant 1.250000e+00 : f32
        %parallel_loop3A_403 = vector.broadcast %parallel_loop3A_402 : f32 to vector<16xf32>
        %parallel_loop3A_404 = arith.mulf %parallel_loop3A_395, %parallel_loop3A_403 : vector<16xf32>
        %parallel_loop3A_405 = arith.constant 0.000000e+00 : f32
        %parallel_loop3A_406 = vector.broadcast %parallel_loop3A_405 : f32 to vector<16xf32>
        %parallel_loop3A_407 = arith.select %parallel_loop3A_401, %parallel_loop3A_404, %parallel_loop3A_406 : vector<16xi1>, vector<16xf32>
        %parallel_loop3A_408 = arith.index_cast %parallel_loop3A_392 : i32 to index
        %parallel_loop3A_409 = tpu.vector_load %arg28[%parallel_loop3A_408] {strides = array<i32>} : memref<4000xf32, #tpu.memory_space<vmem>>, vector<16xf32>,
        %parallel_loop3A_410 = vector.shape_cast %parallel_loop3A_409 : vector<16xf32> to vector<16xf32>
        %parallel_loop3A_411 = vector.shape_cast %parallel_loop3A_407 : vector<16xf32> to vector<16xf32>
        tpu.vector_store %arg28[%parallel_loop3A_408], %parallel_loop3A_411 {strides = array<i32>} : memref<4000xf32, #tpu.memory_space<vmem>>, vector<16xf32>,
      } {sc.loop_unroll_factor = 4 : i64, sc.parallel_access}
      %mul3A_208 = arith.constant 4000 : i32
      %mul3A_209 = arith.muli %add3A_192, %mul3A_208 : i32
      %add3A_210 = arith.addi %mul3A_2, %mul3A_209 : i32
      %dma_start3A_211 = tpu.memref_slice %arg4[%add3A_210] : memref<6400000xf32, #tpu.memory_space<hbm>> -> memref<4000xf32, #tpu.memory_space<hbm>>
      %dma_start3A_212 = tpu.memref_slice %arg4[%add3A_210] : memref<6400000xf32, #tpu.memory_space<hbm>> -> memref<4000xf32, #tpu.memory_space<hbm>>
      tpu.enqueue_dma source(%arg28 : memref<4000xf32, #tpu.memory_space<vmem>>) target(%dma_start3A_212 : memref<4000xf32, #tpu.memory_space<hbm>>) target_semaphore(%arg58 : memref<!tpu.dma_semaphore, #tpu.memory_space<semaphore_mem>>)
      %lt3A_213 = arith.constant 4 : i32
      %lt3A_214 = arith.cmpi slt, %scan3A_106, %lt3A_213 : i32
      %convert_element_type3A_215 = arith.extui %lt3A_214 : i1 to i32
      %cond3A_216 = arith.constant 0 : i32
      %cond3A_217 = arith.cmpi ne, %convert_element_type3A_215, %cond3A_216 : i32
      scf.if %cond3A_217 {
        %add3A_392 = arith.constant 10 : i32
        %add3A_393 = arith.addi %add3A_192, %add3A_392 : i32
        %mul3A_394 = arith.constant 4000 : i32
        %mul3A_395 = arith.muli %add3A_393, %mul3A_394 : i32
        %add3A_396 = arith.addi %mul3A_2, %mul3A_395 : i32
        %dma_start3A_397 = tpu.memref_slice %arg2[%add3A_396] : memref<6400000xf32, #tpu.memory_space<hbm>> -> memref<4000xf32, #tpu.memory_space<hbm>>
        %dma_start3A_398 = tpu.memref_slice %arg2[%add3A_396] : memref<6400000xf32, #tpu.memory_space<hbm>> -> memref<4000xf32, #tpu.memory_space<hbm>>
        tpu.enqueue_dma source(%dma_start3A_398 : memref<4000xf32, #tpu.memory_space<hbm>>) target(%arg8 : memref<4000xf32, #tpu.memory_space<vmem>>) target_semaphore(%arg38 : memref<!tpu.dma_semaphore, #tpu.memory_space<semaphore_mem>>)
        %dma_start3A_399 = tpu.memref_slice %arg3[%add3A_396] : memref<6400000xf32, #tpu.memory_space<hbm>> -> memref<4000xf32, #tpu.memory_space<hbm>>
        %dma_start3A_400 = tpu.memref_slice %arg3[%add3A_396] : memref<6400000xf32, #tpu.memory_space<hbm>> -> memref<4000xf32, #tpu.memory_space<hbm>>
        tpu.enqueue_dma source(%dma_start3A_400 : memref<4000xf32, #tpu.memory_space<hbm>>) target(%arg18 : memref<4000xf32, #tpu.memory_space<vmem>>) target_semaphore(%arg48 : memref<!tpu.dma_semaphore, #tpu.memory_space<semaphore_mem>>)
      } else {
      }
      %mul3A_218 = arith.constant 10 : i32
      %mul3A_219 = arith.muli %scan3A_106, %mul3A_218 : i32
      %add3A_220 = arith.constant 4 : i32
      %add3A_221 = arith.addi %mul3A_219, %add3A_220 : i32
      %mul3A_222 = arith.constant 4000 : i32
      %mul3A_223 = arith.muli %add3A_221, %mul3A_222 : i32
      %add3A_224 = arith.addi %mul3A_2, %mul3A_223 : i32
      %dma_wait3A_225 = tpu.memref_slice %arg2[%add3A_224] : memref<6400000xf32, #tpu.memory_space<hbm>> -> memref<4000xf32, #tpu.memory_space<hbm>>
      %dma_wait3A_226 = tpu.memref_slice %arg2[%add3A_224] : memref<6400000xf32, #tpu.memory_space<hbm>> -> memref<4000xf32, #tpu.memory_space<hbm>>
      tpu.wait_dma2 semaphore(%arg39 : memref<!tpu.dma_semaphore, #tpu.memory_space<semaphore_mem>>) src(%dma_wait3A_226 : memref<4000xf32, #tpu.memory_space<hbm>>) dst(%arg9 : memref<4000xf32, #tpu.memory_space<vmem>>)
      %dma_wait3A_227 = tpu.memref_slice %arg3[%add3A_224] : memref<6400000xf32, #tpu.memory_space<hbm>> -> memref<4000xf32, #tpu.memory_space<hbm>>
      %dma_wait3A_228 = tpu.memref_slice %arg3[%add3A_224] : memref<6400000xf32, #tpu.memory_space<hbm>> -> memref<4000xf32, #tpu.memory_space<hbm>>
      tpu.wait_dma2 semaphore(%arg49 : memref<!tpu.dma_semaphore, #tpu.memory_space<semaphore_mem>>) src(%dma_wait3A_228 : memref<4000xf32, #tpu.memory_space<hbm>>) dst(%arg19 : memref<4000xf32, #tpu.memory_space<vmem>>)
      %gt3A_229 = arith.constant 0 : i32
      %gt3A_230 = arith.cmpi sgt, %scan3A_106, %gt3A_229 : i32
      %convert_element_type3A_231 = arith.extui %gt3A_230 : i1 to i32
      %cond3A_232 = arith.constant 0 : i32
      %cond3A_233 = arith.cmpi ne, %convert_element_type3A_231, %cond3A_232 : i32
      scf.if %cond3A_233 {
        %mul3A_392 = arith.constant 4000 : i32
        %mul3A_393 = arith.muli %add3A_221, %mul3A_392 : i32
        %add3A_394 = arith.addi %mul3A_2, %mul3A_393 : i32
        %dma_wait3A_395 = tpu.memref_slice %arg4[%add3A_394] : memref<6400000xf32, #tpu.memory_space<hbm>> -> memref<4000xf32, #tpu.memory_space<hbm>>
        %dma_wait3A_396 = tpu.memref_slice %arg4[%add3A_394] : memref<6400000xf32, #tpu.memory_space<hbm>> -> memref<4000xf32, #tpu.memory_space<hbm>>
        tpu.wait_dma2 semaphore(%arg59 : memref<!tpu.dma_semaphore, #tpu.memory_space<semaphore_mem>>) src(%arg29 : memref<4000xf32, #tpu.memory_space<vmem>>) dst(%dma_wait3A_396 : memref<4000xf32, #tpu.memory_space<hbm>>)
      } else {
      }
      %parallel_loop3A_234 = arith.constant 0 : i32
      %parallel_loop3A_235 = arith.constant 4000 : i32
      %parallel_loop3A_236 = arith.constant 16 : i32
      scf.for %parallel_loop3A_392 = %parallel_loop3A_234 to %parallel_loop3A_235 step %parallel_loop3A_236  : i32 {
        %parallel_loop3A_393 = arith.index_cast %parallel_loop3A_392 : i32 to index
        %parallel_loop3A_394 = tpu.vector_load %arg9[%parallel_loop3A_393] {strides = array<i32>} : memref<4000xf32, #tpu.memory_space<vmem>>, vector<16xf32>,
        %parallel_loop3A_395 = vector.shape_cast %parallel_loop3A_394 : vector<16xf32> to vector<16xf32>
        %parallel_loop3A_396 = arith.index_cast %parallel_loop3A_392 : i32 to index
        %parallel_loop3A_397 = tpu.vector_load %arg19[%parallel_loop3A_396] {strides = array<i32>} : memref<4000xf32, #tpu.memory_space<vmem>>, vector<16xf32>,
        %parallel_loop3A_398 = vector.shape_cast %parallel_loop3A_397 : vector<16xf32> to vector<16xf32>
        %parallel_loop3A_399 = arith.constant 2.000000e-01 : f32
        %parallel_loop3A_400 = vector.broadcast %parallel_loop3A_399 : f32 to vector<16xf32>
        %parallel_loop3A_401 = arith.cmpf ogt, %parallel_loop3A_398, %parallel_loop3A_400 : vector<16xf32>
        %parallel_loop3A_402 = arith.constant 1.250000e+00 : f32
        %parallel_loop3A_403 = vector.broadcast %parallel_loop3A_402 : f32 to vector<16xf32>
        %parallel_loop3A_404 = arith.mulf %parallel_loop3A_395, %parallel_loop3A_403 : vector<16xf32>
        %parallel_loop3A_405 = arith.constant 0.000000e+00 : f32
        %parallel_loop3A_406 = vector.broadcast %parallel_loop3A_405 : f32 to vector<16xf32>
        %parallel_loop3A_407 = arith.select %parallel_loop3A_401, %parallel_loop3A_404, %parallel_loop3A_406 : vector<16xi1>, vector<16xf32>
        %parallel_loop3A_408 = arith.index_cast %parallel_loop3A_392 : i32 to index
        %parallel_loop3A_409 = tpu.vector_load %arg29[%parallel_loop3A_408] {strides = array<i32>} : memref<4000xf32, #tpu.memory_space<vmem>>, vector<16xf32>,
        %parallel_loop3A_410 = vector.shape_cast %parallel_loop3A_409 : vector<16xf32> to vector<16xf32>
        %parallel_loop3A_411 = vector.shape_cast %parallel_loop3A_407 : vector<16xf32> to vector<16xf32>
        tpu.vector_store %arg29[%parallel_loop3A_408], %parallel_loop3A_411 {strides = array<i32>} : memref<4000xf32, #tpu.memory_space<vmem>>, vector<16xf32>,
      } {sc.loop_unroll_factor = 4 : i64, sc.parallel_access}
      %mul3A_237 = arith.constant 4000 : i32
      %mul3A_238 = arith.muli %add3A_221, %mul3A_237 : i32
      %add3A_239 = arith.addi %mul3A_2, %mul3A_238 : i32
      %dma_start3A_240 = tpu.memref_slice %arg4[%add3A_239] : memref<6400000xf32, #tpu.memory_space<hbm>> -> memref<4000xf32, #tpu.memory_space<hbm>>
      %dma_start3A_241 = tpu.memref_slice %arg4[%add3A_239] : memref<6400000xf32, #tpu.memory_space<hbm>> -> memref<4000xf32, #tpu.memory_space<hbm>>
      tpu.enqueue_dma source(%arg29 : memref<4000xf32, #tpu.memory_space<vmem>>) target(%dma_start3A_241 : memref<4000xf32, #tpu.memory_space<hbm>>) target_semaphore(%arg59 : memref<!tpu.dma_semaphore, #tpu.memory_space<semaphore_mem>>)
      %lt3A_242 = arith.constant 4 : i32
      %lt3A_243 = arith.cmpi slt, %scan3A_106, %lt3A_242 : i32
      %convert_element_type3A_244 = arith.extui %lt3A_243 : i1 to i32
      %cond3A_245 = arith.constant 0 : i32
      %cond3A_246 = arith.cmpi ne, %convert_element_type3A_244, %cond3A_245 : i32
      scf.if %cond3A_246 {
        %add3A_392 = arith.constant 10 : i32
        %add3A_393 = arith.addi %add3A_221, %add3A_392 : i32
        %mul3A_394 = arith.constant 4000 : i32
        %mul3A_395 = arith.muli %add3A_393, %mul3A_394 : i32
        %add3A_396 = arith.addi %mul3A_2, %mul3A_395 : i32
        %dma_start3A_397 = tpu.memref_slice %arg2[%add3A_396] : memref<6400000xf32, #tpu.memory_space<hbm>> -> memref<4000xf32, #tpu.memory_space<hbm>>
        %dma_start3A_398 = tpu.memref_slice %arg2[%add3A_396] : memref<6400000xf32, #tpu.memory_space<hbm>> -> memref<4000xf32, #tpu.memory_space<hbm>>
        tpu.enqueue_dma source(%dma_start3A_398 : memref<4000xf32, #tpu.memory_space<hbm>>) target(%arg9 : memref<4000xf32, #tpu.memory_space<vmem>>) target_semaphore(%arg39 : memref<!tpu.dma_semaphore, #tpu.memory_space<semaphore_mem>>)
        %dma_start3A_399 = tpu.memref_slice %arg3[%add3A_396] : memref<6400000xf32, #tpu.memory_space<hbm>> -> memref<4000xf32, #tpu.memory_space<hbm>>
        %dma_start3A_400 = tpu.memref_slice %arg3[%add3A_396] : memref<6400000xf32, #tpu.memory_space<hbm>> -> memref<4000xf32, #tpu.memory_space<hbm>>
        tpu.enqueue_dma source(%dma_start3A_400 : memref<4000xf32, #tpu.memory_space<hbm>>) target(%arg19 : memref<4000xf32, #tpu.memory_space<vmem>>) target_semaphore(%arg49 : memref<!tpu.dma_semaphore, #tpu.memory_space<semaphore_mem>>)
      } else {
      }
      %mul3A_247 = arith.constant 10 : i32
      %mul3A_248 = arith.muli %scan3A_106, %mul3A_247 : i32
      %add3A_249 = arith.constant 5 : i32
      %add3A_250 = arith.addi %mul3A_248, %add3A_249 : i32
      %mul3A_251 = arith.constant 4000 : i32
      %mul3A_252 = arith.muli %add3A_250, %mul3A_251 : i32
      %add3A_253 = arith.addi %mul3A_2, %mul3A_252 : i32
      %dma_wait3A_254 = tpu.memref_slice %arg2[%add3A_253] : memref<6400000xf32, #tpu.memory_space<hbm>> -> memref<4000xf32, #tpu.memory_space<hbm>>
      %dma_wait3A_255 = tpu.memref_slice %arg2[%add3A_253] : memref<6400000xf32, #tpu.memory_space<hbm>> -> memref<4000xf32, #tpu.memory_space<hbm>>
      tpu.wait_dma2 semaphore(%arg40 : memref<!tpu.dma_semaphore, #tpu.memory_space<semaphore_mem>>) src(%dma_wait3A_255 : memref<4000xf32, #tpu.memory_space<hbm>>) dst(%arg10 : memref<4000xf32, #tpu.memory_space<vmem>>)
      %dma_wait3A_256 = tpu.memref_slice %arg3[%add3A_253] : memref<6400000xf32, #tpu.memory_space<hbm>> -> memref<4000xf32, #tpu.memory_space<hbm>>
      %dma_wait3A_257 = tpu.memref_slice %arg3[%add3A_253] : memref<6400000xf32, #tpu.memory_space<hbm>> -> memref<4000xf32, #tpu.memory_space<hbm>>
      tpu.wait_dma2 semaphore(%arg50 : memref<!tpu.dma_semaphore, #tpu.memory_space<semaphore_mem>>) src(%dma_wait3A_257 : memref<4000xf32, #tpu.memory_space<hbm>>) dst(%arg20 : memref<4000xf32, #tpu.memory_space<vmem>>)
      %gt3A_258 = arith.constant 0 : i32
      %gt3A_259 = arith.cmpi sgt, %scan3A_106, %gt3A_258 : i32
      %convert_element_type3A_260 = arith.extui %gt3A_259 : i1 to i32
      %cond3A_261 = arith.constant 0 : i32
      %cond3A_262 = arith.cmpi ne, %convert_element_type3A_260, %cond3A_261 : i32
      scf.if %cond3A_262 {
        %mul3A_392 = arith.constant 4000 : i32
        %mul3A_393 = arith.muli %add3A_250, %mul3A_392 : i32
        %add3A_394 = arith.addi %mul3A_2, %mul3A_393 : i32
        %dma_wait3A_395 = tpu.memref_slice %arg4[%add3A_394] : memref<6400000xf32, #tpu.memory_space<hbm>> -> memref<4000xf32, #tpu.memory_space<hbm>>
        %dma_wait3A_396 = tpu.memref_slice %arg4[%add3A_394] : memref<6400000xf32, #tpu.memory_space<hbm>> -> memref<4000xf32, #tpu.memory_space<hbm>>
        tpu.wait_dma2 semaphore(%arg60 : memref<!tpu.dma_semaphore, #tpu.memory_space<semaphore_mem>>) src(%arg30 : memref<4000xf32, #tpu.memory_space<vmem>>) dst(%dma_wait3A_396 : memref<4000xf32, #tpu.memory_space<hbm>>)
      } else {
      }
      %parallel_loop3A_263 = arith.constant 0 : i32
      %parallel_loop3A_264 = arith.constant 4000 : i32
      %parallel_loop3A_265 = arith.constant 16 : i32
      scf.for %parallel_loop3A_392 = %parallel_loop3A_263 to %parallel_loop3A_264 step %parallel_loop3A_265  : i32 {
        %parallel_loop3A_393 = arith.index_cast %parallel_loop3A_392 : i32 to index
        %parallel_loop3A_394 = tpu.vector_load %arg10[%parallel_loop3A_393] {strides = array<i32>} : memref<4000xf32, #tpu.memory_space<vmem>>, vector<16xf32>,
        %parallel_loop3A_395 = vector.shape_cast %parallel_loop3A_394 : vector<16xf32> to vector<16xf32>
        %parallel_loop3A_396 = arith.index_cast %parallel_loop3A_392 : i32 to index
        %parallel_loop3A_397 = tpu.vector_load %arg20[%parallel_loop3A_396] {strides = array<i32>} : memref<4000xf32, #tpu.memory_space<vmem>>, vector<16xf32>,
        %parallel_loop3A_398 = vector.shape_cast %parallel_loop3A_397 : vector<16xf32> to vector<16xf32>
        %parallel_loop3A_399 = arith.constant 2.000000e-01 : f32
        %parallel_loop3A_400 = vector.broadcast %parallel_loop3A_399 : f32 to vector<16xf32>
        %parallel_loop3A_401 = arith.cmpf ogt, %parallel_loop3A_398, %parallel_loop3A_400 : vector<16xf32>
        %parallel_loop3A_402 = arith.constant 1.250000e+00 : f32
        %parallel_loop3A_403 = vector.broadcast %parallel_loop3A_402 : f32 to vector<16xf32>
        %parallel_loop3A_404 = arith.mulf %parallel_loop3A_395, %parallel_loop3A_403 : vector<16xf32>
        %parallel_loop3A_405 = arith.constant 0.000000e+00 : f32
        %parallel_loop3A_406 = vector.broadcast %parallel_loop3A_405 : f32 to vector<16xf32>
        %parallel_loop3A_407 = arith.select %parallel_loop3A_401, %parallel_loop3A_404, %parallel_loop3A_406 : vector<16xi1>, vector<16xf32>
        %parallel_loop3A_408 = arith.index_cast %parallel_loop3A_392 : i32 to index
        %parallel_loop3A_409 = tpu.vector_load %arg30[%parallel_loop3A_408] {strides = array<i32>} : memref<4000xf32, #tpu.memory_space<vmem>>, vector<16xf32>,
        %parallel_loop3A_410 = vector.shape_cast %parallel_loop3A_409 : vector<16xf32> to vector<16xf32>
        %parallel_loop3A_411 = vector.shape_cast %parallel_loop3A_407 : vector<16xf32> to vector<16xf32>
        tpu.vector_store %arg30[%parallel_loop3A_408], %parallel_loop3A_411 {strides = array<i32>} : memref<4000xf32, #tpu.memory_space<vmem>>, vector<16xf32>,
      } {sc.loop_unroll_factor = 4 : i64, sc.parallel_access}
      %mul3A_266 = arith.constant 4000 : i32
      %mul3A_267 = arith.muli %add3A_250, %mul3A_266 : i32
      %add3A_268 = arith.addi %mul3A_2, %mul3A_267 : i32
      %dma_start3A_269 = tpu.memref_slice %arg4[%add3A_268] : memref<6400000xf32, #tpu.memory_space<hbm>> -> memref<4000xf32, #tpu.memory_space<hbm>>
      %dma_start3A_270 = tpu.memref_slice %arg4[%add3A_268] : memref<6400000xf32, #tpu.memory_space<hbm>> -> memref<4000xf32, #tpu.memory_space<hbm>>
      tpu.enqueue_dma source(%arg30 : memref<4000xf32, #tpu.memory_space<vmem>>) target(%dma_start3A_270 : memref<4000xf32, #tpu.memory_space<hbm>>) target_semaphore(%arg60 : memref<!tpu.dma_semaphore, #tpu.memory_space<semaphore_mem>>)
      %lt3A_271 = arith.constant 4 : i32
      %lt3A_272 = arith.cmpi slt, %scan3A_106, %lt3A_271 : i32
      %convert_element_type3A_273 = arith.extui %lt3A_272 : i1 to i32
      %cond3A_274 = arith.constant 0 : i32
      %cond3A_275 = arith.cmpi ne, %convert_element_type3A_273, %cond3A_274 : i32
      scf.if %cond3A_275 {
        %add3A_392 = arith.constant 10 : i32
        %add3A_393 = arith.addi %add3A_250, %add3A_392 : i32
        %mul3A_394 = arith.constant 4000 : i32
        %mul3A_395 = arith.muli %add3A_393, %mul3A_394 : i32
        %add3A_396 = arith.addi %mul3A_2, %mul3A_395 : i32
        %dma_start3A_397 = tpu.memref_slice %arg2[%add3A_396] : memref<6400000xf32, #tpu.memory_space<hbm>> -> memref<4000xf32, #tpu.memory_space<hbm>>
        %dma_start3A_398 = tpu.memref_slice %arg2[%add3A_396] : memref<6400000xf32, #tpu.memory_space<hbm>> -> memref<4000xf32, #tpu.memory_space<hbm>>
        tpu.enqueue_dma source(%dma_start3A_398 : memref<4000xf32, #tpu.memory_space<hbm>>) target(%arg10 : memref<4000xf32, #tpu.memory_space<vmem>>) target_semaphore(%arg40 : memref<!tpu.dma_semaphore, #tpu.memory_space<semaphore_mem>>)
        %dma_start3A_399 = tpu.memref_slice %arg3[%add3A_396] : memref<6400000xf32, #tpu.memory_space<hbm>> -> memref<4000xf32, #tpu.memory_space<hbm>>
        %dma_start3A_400 = tpu.memref_slice %arg3[%add3A_396] : memref<6400000xf32, #tpu.memory_space<hbm>> -> memref<4000xf32, #tpu.memory_space<hbm>>
        tpu.enqueue_dma source(%dma_start3A_400 : memref<4000xf32, #tpu.memory_space<hbm>>) target(%arg20 : memref<4000xf32, #tpu.memory_space<vmem>>) target_semaphore(%arg50 : memref<!tpu.dma_semaphore, #tpu.memory_space<semaphore_mem>>)
      } else {
      }
      %mul3A_276 = arith.constant 10 : i32
      %mul3A_277 = arith.muli %scan3A_106, %mul3A_276 : i32
      %add3A_278 = arith.constant 6 : i32
      %add3A_279 = arith.addi %mul3A_277, %add3A_278 : i32
      %mul3A_280 = arith.constant 4000 : i32
      %mul3A_281 = arith.muli %add3A_279, %mul3A_280 : i32
      %add3A_282 = arith.addi %mul3A_2, %mul3A_281 : i32
      %dma_wait3A_283 = tpu.memref_slice %arg2[%add3A_282] : memref<6400000xf32, #tpu.memory_space<hbm>> -> memref<4000xf32, #tpu.memory_space<hbm>>
      %dma_wait3A_284 = tpu.memref_slice %arg2[%add3A_282] : memref<6400000xf32, #tpu.memory_space<hbm>> -> memref<4000xf32, #tpu.memory_space<hbm>>
      tpu.wait_dma2 semaphore(%arg41 : memref<!tpu.dma_semaphore, #tpu.memory_space<semaphore_mem>>) src(%dma_wait3A_284 : memref<4000xf32, #tpu.memory_space<hbm>>) dst(%arg11 : memref<4000xf32, #tpu.memory_space<vmem>>)
      %dma_wait3A_285 = tpu.memref_slice %arg3[%add3A_282] : memref<6400000xf32, #tpu.memory_space<hbm>> -> memref<4000xf32, #tpu.memory_space<hbm>>
      %dma_wait3A_286 = tpu.memref_slice %arg3[%add3A_282] : memref<6400000xf32, #tpu.memory_space<hbm>> -> memref<4000xf32, #tpu.memory_space<hbm>>
      tpu.wait_dma2 semaphore(%arg51 : memref<!tpu.dma_semaphore, #tpu.memory_space<semaphore_mem>>) src(%dma_wait3A_286 : memref<4000xf32, #tpu.memory_space<hbm>>) dst(%arg21 : memref<4000xf32, #tpu.memory_space<vmem>>)
      %gt3A_287 = arith.constant 0 : i32
      %gt3A_288 = arith.cmpi sgt, %scan3A_106, %gt3A_287 : i32
      %convert_element_type3A_289 = arith.extui %gt3A_288 : i1 to i32
      %cond3A_290 = arith.constant 0 : i32
      %cond3A_291 = arith.cmpi ne, %convert_element_type3A_289, %cond3A_290 : i32
      scf.if %cond3A_291 {
        %mul3A_392 = arith.constant 4000 : i32
        %mul3A_393 = arith.muli %add3A_279, %mul3A_392 : i32
        %add3A_394 = arith.addi %mul3A_2, %mul3A_393 : i32
        %dma_wait3A_395 = tpu.memref_slice %arg4[%add3A_394] : memref<6400000xf32, #tpu.memory_space<hbm>> -> memref<4000xf32, #tpu.memory_space<hbm>>
        %dma_wait3A_396 = tpu.memref_slice %arg4[%add3A_394] : memref<6400000xf32, #tpu.memory_space<hbm>> -> memref<4000xf32, #tpu.memory_space<hbm>>
        tpu.wait_dma2 semaphore(%arg61 : memref<!tpu.dma_semaphore, #tpu.memory_space<semaphore_mem>>) src(%arg31 : memref<4000xf32, #tpu.memory_space<vmem>>) dst(%dma_wait3A_396 : memref<4000xf32, #tpu.memory_space<hbm>>)
      } else {
      }
      %parallel_loop3A_292 = arith.constant 0 : i32
      %parallel_loop3A_293 = arith.constant 4000 : i32
      %parallel_loop3A_294 = arith.constant 16 : i32
      scf.for %parallel_loop3A_392 = %parallel_loop3A_292 to %parallel_loop3A_293 step %parallel_loop3A_294  : i32 {
        %parallel_loop3A_393 = arith.index_cast %parallel_loop3A_392 : i32 to index
        %parallel_loop3A_394 = tpu.vector_load %arg11[%parallel_loop3A_393] {strides = array<i32>} : memref<4000xf32, #tpu.memory_space<vmem>>, vector<16xf32>,
        %parallel_loop3A_395 = vector.shape_cast %parallel_loop3A_394 : vector<16xf32> to vector<16xf32>
        %parallel_loop3A_396 = arith.index_cast %parallel_loop3A_392 : i32 to index
        %parallel_loop3A_397 = tpu.vector_load %arg21[%parallel_loop3A_396] {strides = array<i32>} : memref<4000xf32, #tpu.memory_space<vmem>>, vector<16xf32>,
        %parallel_loop3A_398 = vector.shape_cast %parallel_loop3A_397 : vector<16xf32> to vector<16xf32>
        %parallel_loop3A_399 = arith.constant 2.000000e-01 : f32
        %parallel_loop3A_400 = vector.broadcast %parallel_loop3A_399 : f32 to vector<16xf32>
        %parallel_loop3A_401 = arith.cmpf ogt, %parallel_loop3A_398, %parallel_loop3A_400 : vector<16xf32>
        %parallel_loop3A_402 = arith.constant 1.250000e+00 : f32
        %parallel_loop3A_403 = vector.broadcast %parallel_loop3A_402 : f32 to vector<16xf32>
        %parallel_loop3A_404 = arith.mulf %parallel_loop3A_395, %parallel_loop3A_403 : vector<16xf32>
        %parallel_loop3A_405 = arith.constant 0.000000e+00 : f32
        %parallel_loop3A_406 = vector.broadcast %parallel_loop3A_405 : f32 to vector<16xf32>
        %parallel_loop3A_407 = arith.select %parallel_loop3A_401, %parallel_loop3A_404, %parallel_loop3A_406 : vector<16xi1>, vector<16xf32>
        %parallel_loop3A_408 = arith.index_cast %parallel_loop3A_392 : i32 to index
        %parallel_loop3A_409 = tpu.vector_load %arg31[%parallel_loop3A_408] {strides = array<i32>} : memref<4000xf32, #tpu.memory_space<vmem>>, vector<16xf32>,
        %parallel_loop3A_410 = vector.shape_cast %parallel_loop3A_409 : vector<16xf32> to vector<16xf32>
        %parallel_loop3A_411 = vector.shape_cast %parallel_loop3A_407 : vector<16xf32> to vector<16xf32>
        tpu.vector_store %arg31[%parallel_loop3A_408], %parallel_loop3A_411 {strides = array<i32>} : memref<4000xf32, #tpu.memory_space<vmem>>, vector<16xf32>,
      } {sc.loop_unroll_factor = 4 : i64, sc.parallel_access}
      %mul3A_295 = arith.constant 4000 : i32
      %mul3A_296 = arith.muli %add3A_279, %mul3A_295 : i32
      %add3A_297 = arith.addi %mul3A_2, %mul3A_296 : i32
      %dma_start3A_298 = tpu.memref_slice %arg4[%add3A_297] : memref<6400000xf32, #tpu.memory_space<hbm>> -> memref<4000xf32, #tpu.memory_space<hbm>>
      %dma_start3A_299 = tpu.memref_slice %arg4[%add3A_297] : memref<6400000xf32, #tpu.memory_space<hbm>> -> memref<4000xf32, #tpu.memory_space<hbm>>
      tpu.enqueue_dma source(%arg31 : memref<4000xf32, #tpu.memory_space<vmem>>) target(%dma_start3A_299 : memref<4000xf32, #tpu.memory_space<hbm>>) target_semaphore(%arg61 : memref<!tpu.dma_semaphore, #tpu.memory_space<semaphore_mem>>)
      %lt3A_300 = arith.constant 4 : i32
      %lt3A_301 = arith.cmpi slt, %scan3A_106, %lt3A_300 : i32
      %convert_element_type3A_302 = arith.extui %lt3A_301 : i1 to i32
      %cond3A_303 = arith.constant 0 : i32
      %cond3A_304 = arith.cmpi ne, %convert_element_type3A_302, %cond3A_303 : i32
      scf.if %cond3A_304 {
        %add3A_392 = arith.constant 10 : i32
        %add3A_393 = arith.addi %add3A_279, %add3A_392 : i32
        %mul3A_394 = arith.constant 4000 : i32
        %mul3A_395 = arith.muli %add3A_393, %mul3A_394 : i32
        %add3A_396 = arith.addi %mul3A_2, %mul3A_395 : i32
        %dma_start3A_397 = tpu.memref_slice %arg2[%add3A_396] : memref<6400000xf32, #tpu.memory_space<hbm>> -> memref<4000xf32, #tpu.memory_space<hbm>>
        %dma_start3A_398 = tpu.memref_slice %arg2[%add3A_396] : memref<6400000xf32, #tpu.memory_space<hbm>> -> memref<4000xf32, #tpu.memory_space<hbm>>
        tpu.enqueue_dma source(%dma_start3A_398 : memref<4000xf32, #tpu.memory_space<hbm>>) target(%arg11 : memref<4000xf32, #tpu.memory_space<vmem>>) target_semaphore(%arg41 : memref<!tpu.dma_semaphore, #tpu.memory_space<semaphore_mem>>)
        %dma_start3A_399 = tpu.memref_slice %arg3[%add3A_396] : memref<6400000xf32, #tpu.memory_space<hbm>> -> memref<4000xf32, #tpu.memory_space<hbm>>
        %dma_start3A_400 = tpu.memref_slice %arg3[%add3A_396] : memref<6400000xf32, #tpu.memory_space<hbm>> -> memref<4000xf32, #tpu.memory_space<hbm>>
        tpu.enqueue_dma source(%dma_start3A_400 : memref<4000xf32, #tpu.memory_space<hbm>>) target(%arg21 : memref<4000xf32, #tpu.memory_space<vmem>>) target_semaphore(%arg51 : memref<!tpu.dma_semaphore, #tpu.memory_space<semaphore_mem>>)
      } else {
      }
      %mul3A_305 = arith.constant 10 : i32
      %mul3A_306 = arith.muli %scan3A_106, %mul3A_305 : i32
      %add3A_307 = arith.constant 7 : i32
      %add3A_308 = arith.addi %mul3A_306, %add3A_307 : i32
      %mul3A_309 = arith.constant 4000 : i32
      %mul3A_310 = arith.muli %add3A_308, %mul3A_309 : i32
      %add3A_311 = arith.addi %mul3A_2, %mul3A_310 : i32
      %dma_wait3A_312 = tpu.memref_slice %arg2[%add3A_311] : memref<6400000xf32, #tpu.memory_space<hbm>> -> memref<4000xf32, #tpu.memory_space<hbm>>
      %dma_wait3A_313 = tpu.memref_slice %arg2[%add3A_311] : memref<6400000xf32, #tpu.memory_space<hbm>> -> memref<4000xf32, #tpu.memory_space<hbm>>
      tpu.wait_dma2 semaphore(%arg42 : memref<!tpu.dma_semaphore, #tpu.memory_space<semaphore_mem>>) src(%dma_wait3A_313 : memref<4000xf32, #tpu.memory_space<hbm>>) dst(%arg12 : memref<4000xf32, #tpu.memory_space<vmem>>)
      %dma_wait3A_314 = tpu.memref_slice %arg3[%add3A_311] : memref<6400000xf32, #tpu.memory_space<hbm>> -> memref<4000xf32, #tpu.memory_space<hbm>>
      %dma_wait3A_315 = tpu.memref_slice %arg3[%add3A_311] : memref<6400000xf32, #tpu.memory_space<hbm>> -> memref<4000xf32, #tpu.memory_space<hbm>>
      tpu.wait_dma2 semaphore(%arg52 : memref<!tpu.dma_semaphore, #tpu.memory_space<semaphore_mem>>) src(%dma_wait3A_315 : memref<4000xf32, #tpu.memory_space<hbm>>) dst(%arg22 : memref<4000xf32, #tpu.memory_space<vmem>>)
      %gt3A_316 = arith.constant 0 : i32
      %gt3A_317 = arith.cmpi sgt, %scan3A_106, %gt3A_316 : i32
      %convert_element_type3A_318 = arith.extui %gt3A_317 : i1 to i32
      %cond3A_319 = arith.constant 0 : i32
      %cond3A_320 = arith.cmpi ne, %convert_element_type3A_318, %cond3A_319 : i32
      scf.if %cond3A_320 {
        %mul3A_392 = arith.constant 4000 : i32
        %mul3A_393 = arith.muli %add3A_308, %mul3A_392 : i32
        %add3A_394 = arith.addi %mul3A_2, %mul3A_393 : i32
        %dma_wait3A_395 = tpu.memref_slice %arg4[%add3A_394] : memref<6400000xf32, #tpu.memory_space<hbm>> -> memref<4000xf32, #tpu.memory_space<hbm>>
        %dma_wait3A_396 = tpu.memref_slice %arg4[%add3A_394] : memref<6400000xf32, #tpu.memory_space<hbm>> -> memref<4000xf32, #tpu.memory_space<hbm>>
        tpu.wait_dma2 semaphore(%arg62 : memref<!tpu.dma_semaphore, #tpu.memory_space<semaphore_mem>>) src(%arg32 : memref<4000xf32, #tpu.memory_space<vmem>>) dst(%dma_wait3A_396 : memref<4000xf32, #tpu.memory_space<hbm>>)
      } else {
      }
      %parallel_loop3A_321 = arith.constant 0 : i32
      %parallel_loop3A_322 = arith.constant 4000 : i32
      %parallel_loop3A_323 = arith.constant 16 : i32
      scf.for %parallel_loop3A_392 = %parallel_loop3A_321 to %parallel_loop3A_322 step %parallel_loop3A_323  : i32 {
        %parallel_loop3A_393 = arith.index_cast %parallel_loop3A_392 : i32 to index
        %parallel_loop3A_394 = tpu.vector_load %arg12[%parallel_loop3A_393] {strides = array<i32>} : memref<4000xf32, #tpu.memory_space<vmem>>, vector<16xf32>,
        %parallel_loop3A_395 = vector.shape_cast %parallel_loop3A_394 : vector<16xf32> to vector<16xf32>
        %parallel_loop3A_396 = arith.index_cast %parallel_loop3A_392 : i32 to index
        %parallel_loop3A_397 = tpu.vector_load %arg22[%parallel_loop3A_396] {strides = array<i32>} : memref<4000xf32, #tpu.memory_space<vmem>>, vector<16xf32>,
        %parallel_loop3A_398 = vector.shape_cast %parallel_loop3A_397 : vector<16xf32> to vector<16xf32>
        %parallel_loop3A_399 = arith.constant 2.000000e-01 : f32
        %parallel_loop3A_400 = vector.broadcast %parallel_loop3A_399 : f32 to vector<16xf32>
        %parallel_loop3A_401 = arith.cmpf ogt, %parallel_loop3A_398, %parallel_loop3A_400 : vector<16xf32>
        %parallel_loop3A_402 = arith.constant 1.250000e+00 : f32
        %parallel_loop3A_403 = vector.broadcast %parallel_loop3A_402 : f32 to vector<16xf32>
        %parallel_loop3A_404 = arith.mulf %parallel_loop3A_395, %parallel_loop3A_403 : vector<16xf32>
        %parallel_loop3A_405 = arith.constant 0.000000e+00 : f32
        %parallel_loop3A_406 = vector.broadcast %parallel_loop3A_405 : f32 to vector<16xf32>
        %parallel_loop3A_407 = arith.select %parallel_loop3A_401, %parallel_loop3A_404, %parallel_loop3A_406 : vector<16xi1>, vector<16xf32>
        %parallel_loop3A_408 = arith.index_cast %parallel_loop3A_392 : i32 to index
        %parallel_loop3A_409 = tpu.vector_load %arg32[%parallel_loop3A_408] {strides = array<i32>} : memref<4000xf32, #tpu.memory_space<vmem>>, vector<16xf32>,
        %parallel_loop3A_410 = vector.shape_cast %parallel_loop3A_409 : vector<16xf32> to vector<16xf32>
        %parallel_loop3A_411 = vector.shape_cast %parallel_loop3A_407 : vector<16xf32> to vector<16xf32>
        tpu.vector_store %arg32[%parallel_loop3A_408], %parallel_loop3A_411 {strides = array<i32>} : memref<4000xf32, #tpu.memory_space<vmem>>, vector<16xf32>,
      } {sc.loop_unroll_factor = 4 : i64, sc.parallel_access}
      %mul3A_324 = arith.constant 4000 : i32
      %mul3A_325 = arith.muli %add3A_308, %mul3A_324 : i32
      %add3A_326 = arith.addi %mul3A_2, %mul3A_325 : i32
      %dma_start3A_327 = tpu.memref_slice %arg4[%add3A_326] : memref<6400000xf32, #tpu.memory_space<hbm>> -> memref<4000xf32, #tpu.memory_space<hbm>>
      %dma_start3A_328 = tpu.memref_slice %arg4[%add3A_326] : memref<6400000xf32, #tpu.memory_space<hbm>> -> memref<4000xf32, #tpu.memory_space<hbm>>
      tpu.enqueue_dma source(%arg32 : memref<4000xf32, #tpu.memory_space<vmem>>) target(%dma_start3A_328 : memref<4000xf32, #tpu.memory_space<hbm>>) target_semaphore(%arg62 : memref<!tpu.dma_semaphore, #tpu.memory_space<semaphore_mem>>)
      %lt3A_329 = arith.constant 4 : i32
      %lt3A_330 = arith.cmpi slt, %scan3A_106, %lt3A_329 : i32
      %convert_element_type3A_331 = arith.extui %lt3A_330 : i1 to i32
      %cond3A_332 = arith.constant 0 : i32
      %cond3A_333 = arith.cmpi ne, %convert_element_type3A_331, %cond3A_332 : i32
      scf.if %cond3A_333 {
        %add3A_392 = arith.constant 10 : i32
        %add3A_393 = arith.addi %add3A_308, %add3A_392 : i32
        %mul3A_394 = arith.constant 4000 : i32
        %mul3A_395 = arith.muli %add3A_393, %mul3A_394 : i32
        %add3A_396 = arith.addi %mul3A_2, %mul3A_395 : i32
        %dma_start3A_397 = tpu.memref_slice %arg2[%add3A_396] : memref<6400000xf32, #tpu.memory_space<hbm>> -> memref<4000xf32, #tpu.memory_space<hbm>>
        %dma_start3A_398 = tpu.memref_slice %arg2[%add3A_396] : memref<6400000xf32, #tpu.memory_space<hbm>> -> memref<4000xf32, #tpu.memory_space<hbm>>
        tpu.enqueue_dma source(%dma_start3A_398 : memref<4000xf32, #tpu.memory_space<hbm>>) target(%arg12 : memref<4000xf32, #tpu.memory_space<vmem>>) target_semaphore(%arg42 : memref<!tpu.dma_semaphore, #tpu.memory_space<semaphore_mem>>)
        %dma_start3A_399 = tpu.memref_slice %arg3[%add3A_396] : memref<6400000xf32, #tpu.memory_space<hbm>> -> memref<4000xf32, #tpu.memory_space<hbm>>
        %dma_start3A_400 = tpu.memref_slice %arg3[%add3A_396] : memref<6400000xf32, #tpu.memory_space<hbm>> -> memref<4000xf32, #tpu.memory_space<hbm>>
        tpu.enqueue_dma source(%dma_start3A_400 : memref<4000xf32, #tpu.memory_space<hbm>>) target(%arg22 : memref<4000xf32, #tpu.memory_space<vmem>>) target_semaphore(%arg52 : memref<!tpu.dma_semaphore, #tpu.memory_space<semaphore_mem>>)
      } else {
      }
      %mul3A_334 = arith.constant 10 : i32
      %mul3A_335 = arith.muli %scan3A_106, %mul3A_334 : i32
      %add3A_336 = arith.constant 8 : i32
      %add3A_337 = arith.addi %mul3A_335, %add3A_336 : i32
      %mul3A_338 = arith.constant 4000 : i32
      %mul3A_339 = arith.muli %add3A_337, %mul3A_338 : i32
      %add3A_340 = arith.addi %mul3A_2, %mul3A_339 : i32
      %dma_wait3A_341 = tpu.memref_slice %arg2[%add3A_340] : memref<6400000xf32, #tpu.memory_space<hbm>> -> memref<4000xf32, #tpu.memory_space<hbm>>
      %dma_wait3A_342 = tpu.memref_slice %arg2[%add3A_340] : memref<6400000xf32, #tpu.memory_space<hbm>> -> memref<4000xf32, #tpu.memory_space<hbm>>
      tpu.wait_dma2 semaphore(%arg43 : memref<!tpu.dma_semaphore, #tpu.memory_space<semaphore_mem>>) src(%dma_wait3A_342 : memref<4000xf32, #tpu.memory_space<hbm>>) dst(%arg13 : memref<4000xf32, #tpu.memory_space<vmem>>)
      %dma_wait3A_343 = tpu.memref_slice %arg3[%add3A_340] : memref<6400000xf32, #tpu.memory_space<hbm>> -> memref<4000xf32, #tpu.memory_space<hbm>>
      %dma_wait3A_344 = tpu.memref_slice %arg3[%add3A_340] : memref<6400000xf32, #tpu.memory_space<hbm>> -> memref<4000xf32, #tpu.memory_space<hbm>>
      tpu.wait_dma2 semaphore(%arg53 : memref<!tpu.dma_semaphore, #tpu.memory_space<semaphore_mem>>) src(%dma_wait3A_344 : memref<4000xf32, #tpu.memory_space<hbm>>) dst(%arg23 : memref<4000xf32, #tpu.memory_space<vmem>>)
      %gt3A_345 = arith.constant 0 : i32
      %gt3A_346 = arith.cmpi sgt, %scan3A_106, %gt3A_345 : i32
      %convert_element_type3A_347 = arith.extui %gt3A_346 : i1 to i32
      %cond3A_348 = arith.constant 0 : i32
      %cond3A_349 = arith.cmpi ne, %convert_element_type3A_347, %cond3A_348 : i32
      scf.if %cond3A_349 {
        %mul3A_392 = arith.constant 4000 : i32
        %mul3A_393 = arith.muli %add3A_337, %mul3A_392 : i32
        %add3A_394 = arith.addi %mul3A_2, %mul3A_393 : i32
        %dma_wait3A_395 = tpu.memref_slice %arg4[%add3A_394] : memref<6400000xf32, #tpu.memory_space<hbm>> -> memref<4000xf32, #tpu.memory_space<hbm>>
        %dma_wait3A_396 = tpu.memref_slice %arg4[%add3A_394] : memref<6400000xf32, #tpu.memory_space<hbm>> -> memref<4000xf32, #tpu.memory_space<hbm>>
        tpu.wait_dma2 semaphore(%arg63 : memref<!tpu.dma_semaphore, #tpu.memory_space<semaphore_mem>>) src(%arg33 : memref<4000xf32, #tpu.memory_space<vmem>>) dst(%dma_wait3A_396 : memref<4000xf32, #tpu.memory_space<hbm>>)
      } else {
      }
      %parallel_loop3A_350 = arith.constant 0 : i32
      %parallel_loop3A_351 = arith.constant 4000 : i32
      %parallel_loop3A_352 = arith.constant 16 : i32
      scf.for %parallel_loop3A_392 = %parallel_loop3A_350 to %parallel_loop3A_351 step %parallel_loop3A_352  : i32 {
        %parallel_loop3A_393 = arith.index_cast %parallel_loop3A_392 : i32 to index
        %parallel_loop3A_394 = tpu.vector_load %arg13[%parallel_loop3A_393] {strides = array<i32>} : memref<4000xf32, #tpu.memory_space<vmem>>, vector<16xf32>,
        %parallel_loop3A_395 = vector.shape_cast %parallel_loop3A_394 : vector<16xf32> to vector<16xf32>
        %parallel_loop3A_396 = arith.index_cast %parallel_loop3A_392 : i32 to index
        %parallel_loop3A_397 = tpu.vector_load %arg23[%parallel_loop3A_396] {strides = array<i32>} : memref<4000xf32, #tpu.memory_space<vmem>>, vector<16xf32>,
        %parallel_loop3A_398 = vector.shape_cast %parallel_loop3A_397 : vector<16xf32> to vector<16xf32>
        %parallel_loop3A_399 = arith.constant 2.000000e-01 : f32
        %parallel_loop3A_400 = vector.broadcast %parallel_loop3A_399 : f32 to vector<16xf32>
        %parallel_loop3A_401 = arith.cmpf ogt, %parallel_loop3A_398, %parallel_loop3A_400 : vector<16xf32>
        %parallel_loop3A_402 = arith.constant 1.250000e+00 : f32
        %parallel_loop3A_403 = vector.broadcast %parallel_loop3A_402 : f32 to vector<16xf32>
        %parallel_loop3A_404 = arith.mulf %parallel_loop3A_395, %parallel_loop3A_403 : vector<16xf32>
        %parallel_loop3A_405 = arith.constant 0.000000e+00 : f32
        %parallel_loop3A_406 = vector.broadcast %parallel_loop3A_405 : f32 to vector<16xf32>
        %parallel_loop3A_407 = arith.select %parallel_loop3A_401, %parallel_loop3A_404, %parallel_loop3A_406 : vector<16xi1>, vector<16xf32>
        %parallel_loop3A_408 = arith.index_cast %parallel_loop3A_392 : i32 to index
        %parallel_loop3A_409 = tpu.vector_load %arg33[%parallel_loop3A_408] {strides = array<i32>} : memref<4000xf32, #tpu.memory_space<vmem>>, vector<16xf32>,
        %parallel_loop3A_410 = vector.shape_cast %parallel_loop3A_409 : vector<16xf32> to vector<16xf32>
        %parallel_loop3A_411 = vector.shape_cast %parallel_loop3A_407 : vector<16xf32> to vector<16xf32>
        tpu.vector_store %arg33[%parallel_loop3A_408], %parallel_loop3A_411 {strides = array<i32>} : memref<4000xf32, #tpu.memory_space<vmem>>, vector<16xf32>,
      } {sc.loop_unroll_factor = 4 : i64, sc.parallel_access}
      %mul3A_353 = arith.constant 4000 : i32
      %mul3A_354 = arith.muli %add3A_337, %mul3A_353 : i32
      %add3A_355 = arith.addi %mul3A_2, %mul3A_354 : i32
      %dma_start3A_356 = tpu.memref_slice %arg4[%add3A_355] : memref<6400000xf32, #tpu.memory_space<hbm>> -> memref<4000xf32, #tpu.memory_space<hbm>>
      %dma_start3A_357 = tpu.memref_slice %arg4[%add3A_355] : memref<6400000xf32, #tpu.memory_space<hbm>> -> memref<4000xf32, #tpu.memory_space<hbm>>
      tpu.enqueue_dma source(%arg33 : memref<4000xf32, #tpu.memory_space<vmem>>) target(%dma_start3A_357 : memref<4000xf32, #tpu.memory_space<hbm>>) target_semaphore(%arg63 : memref<!tpu.dma_semaphore, #tpu.memory_space<semaphore_mem>>)
      %lt3A_358 = arith.constant 4 : i32
      %lt3A_359 = arith.cmpi slt, %scan3A_106, %lt3A_358 : i32
      %convert_element_type3A_360 = arith.extui %lt3A_359 : i1 to i32
      %cond3A_361 = arith.constant 0 : i32
      %cond3A_362 = arith.cmpi ne, %convert_element_type3A_360, %cond3A_361 : i32
      scf.if %cond3A_362 {
        %add3A_392 = arith.constant 10 : i32
        %add3A_393 = arith.addi %add3A_337, %add3A_392 : i32
        %mul3A_394 = arith.constant 4000 : i32
        %mul3A_395 = arith.muli %add3A_393, %mul3A_394 : i32
        %add3A_396 = arith.addi %mul3A_2, %mul3A_395 : i32
        %dma_start3A_397 = tpu.memref_slice %arg2[%add3A_396] : memref<6400000xf32, #tpu.memory_space<hbm>> -> memref<4000xf32, #tpu.memory_space<hbm>>
        %dma_start3A_398 = tpu.memref_slice %arg2[%add3A_396] : memref<6400000xf32, #tpu.memory_space<hbm>> -> memref<4000xf32, #tpu.memory_space<hbm>>
        tpu.enqueue_dma source(%dma_start3A_398 : memref<4000xf32, #tpu.memory_space<hbm>>) target(%arg13 : memref<4000xf32, #tpu.memory_space<vmem>>) target_semaphore(%arg43 : memref<!tpu.dma_semaphore, #tpu.memory_space<semaphore_mem>>)
        %dma_start3A_399 = tpu.memref_slice %arg3[%add3A_396] : memref<6400000xf32, #tpu.memory_space<hbm>> -> memref<4000xf32, #tpu.memory_space<hbm>>
        %dma_start3A_400 = tpu.memref_slice %arg3[%add3A_396] : memref<6400000xf32, #tpu.memory_space<hbm>> -> memref<4000xf32, #tpu.memory_space<hbm>>
        tpu.enqueue_dma source(%dma_start3A_400 : memref<4000xf32, #tpu.memory_space<hbm>>) target(%arg23 : memref<4000xf32, #tpu.memory_space<vmem>>) target_semaphore(%arg53 : memref<!tpu.dma_semaphore, #tpu.memory_space<semaphore_mem>>)
      } else {
      }
      %mul3A_363 = arith.constant 10 : i32
      %mul3A_364 = arith.muli %scan3A_106, %mul3A_363 : i32
      %add3A_365 = arith.constant 9 : i32
      %add3A_366 = arith.addi %mul3A_364, %add3A_365 : i32
      %mul3A_367 = arith.constant 4000 : i32
      %mul3A_368 = arith.muli %add3A_366, %mul3A_367 : i32
      %add3A_369 = arith.addi %mul3A_2, %mul3A_368 : i32
      %dma_wait3A_370 = tpu.memref_slice %arg2[%add3A_369] : memref<6400000xf32, #tpu.memory_space<hbm>> -> memref<4000xf32, #tpu.memory_space<hbm>>
      %dma_wait3A_371 = tpu.memref_slice %arg2[%add3A_369] : memref<6400000xf32, #tpu.memory_space<hbm>> -> memref<4000xf32, #tpu.memory_space<hbm>>
      tpu.wait_dma2 semaphore(%arg44 : memref<!tpu.dma_semaphore, #tpu.memory_space<semaphore_mem>>) src(%dma_wait3A_371 : memref<4000xf32, #tpu.memory_space<hbm>>) dst(%arg14 : memref<4000xf32, #tpu.memory_space<vmem>>)
      %dma_wait3A_372 = tpu.memref_slice %arg3[%add3A_369] : memref<6400000xf32, #tpu.memory_space<hbm>> -> memref<4000xf32, #tpu.memory_space<hbm>>
      %dma_wait3A_373 = tpu.memref_slice %arg3[%add3A_369] : memref<6400000xf32, #tpu.memory_space<hbm>> -> memref<4000xf32, #tpu.memory_space<hbm>>
      tpu.wait_dma2 semaphore(%arg54 : memref<!tpu.dma_semaphore, #tpu.memory_space<semaphore_mem>>) src(%dma_wait3A_373 : memref<4000xf32, #tpu.memory_space<hbm>>) dst(%arg24 : memref<4000xf32, #tpu.memory_space<vmem>>)
      %gt3A_374 = arith.constant 0 : i32
      %gt3A_375 = arith.cmpi sgt, %scan3A_106, %gt3A_374 : i32
      %convert_element_type3A_376 = arith.extui %gt3A_375 : i1 to i32
      %cond3A_377 = arith.constant 0 : i32
      %cond3A_378 = arith.cmpi ne, %convert_element_type3A_376, %cond3A_377 : i32
      scf.if %cond3A_378 {
        %mul3A_392 = arith.constant 4000 : i32
        %mul3A_393 = arith.muli %add3A_366, %mul3A_392 : i32
        %add3A_394 = arith.addi %mul3A_2, %mul3A_393 : i32
        %dma_wait3A_395 = tpu.memref_slice %arg4[%add3A_394] : memref<6400000xf32, #tpu.memory_space<hbm>> -> memref<4000xf32, #tpu.memory_space<hbm>>
        %dma_wait3A_396 = tpu.memref_slice %arg4[%add3A_394] : memref<6400000xf32, #tpu.memory_space<hbm>> -> memref<4000xf32, #tpu.memory_space<hbm>>
        tpu.wait_dma2 semaphore(%arg64 : memref<!tpu.dma_semaphore, #tpu.memory_space<semaphore_mem>>) src(%arg34 : memref<4000xf32, #tpu.memory_space<vmem>>) dst(%dma_wait3A_396 : memref<4000xf32, #tpu.memory_space<hbm>>)
      } else {
      }
      %parallel_loop3A_379 = arith.constant 0 : i32
      %parallel_loop3A_380 = arith.constant 4000 : i32
      %parallel_loop3A_381 = arith.constant 16 : i32
      scf.for %parallel_loop3A_392 = %parallel_loop3A_379 to %parallel_loop3A_380 step %parallel_loop3A_381  : i32 {
        %parallel_loop3A_393 = arith.index_cast %parallel_loop3A_392 : i32 to index
        %parallel_loop3A_394 = tpu.vector_load %arg14[%parallel_loop3A_393] {strides = array<i32>} : memref<4000xf32, #tpu.memory_space<vmem>>, vector<16xf32>,
        %parallel_loop3A_395 = vector.shape_cast %parallel_loop3A_394 : vector<16xf32> to vector<16xf32>
        %parallel_loop3A_396 = arith.index_cast %parallel_loop3A_392 : i32 to index
        %parallel_loop3A_397 = tpu.vector_load %arg24[%parallel_loop3A_396] {strides = array<i32>} : memref<4000xf32, #tpu.memory_space<vmem>>, vector<16xf32>,
        %parallel_loop3A_398 = vector.shape_cast %parallel_loop3A_397 : vector<16xf32> to vector<16xf32>
        %parallel_loop3A_399 = arith.constant 2.000000e-01 : f32
        %parallel_loop3A_400 = vector.broadcast %parallel_loop3A_399 : f32 to vector<16xf32>
        %parallel_loop3A_401 = arith.cmpf ogt, %parallel_loop3A_398, %parallel_loop3A_400 : vector<16xf32>
        %parallel_loop3A_402 = arith.constant 1.250000e+00 : f32
        %parallel_loop3A_403 = vector.broadcast %parallel_loop3A_402 : f32 to vector<16xf32>
        %parallel_loop3A_404 = arith.mulf %parallel_loop3A_395, %parallel_loop3A_403 : vector<16xf32>
        %parallel_loop3A_405 = arith.constant 0.000000e+00 : f32
        %parallel_loop3A_406 = vector.broadcast %parallel_loop3A_405 : f32 to vector<16xf32>
        %parallel_loop3A_407 = arith.select %parallel_loop3A_401, %parallel_loop3A_404, %parallel_loop3A_406 : vector<16xi1>, vector<16xf32>
        %parallel_loop3A_408 = arith.index_cast %parallel_loop3A_392 : i32 to index
        %parallel_loop3A_409 = tpu.vector_load %arg34[%parallel_loop3A_408] {strides = array<i32>} : memref<4000xf32, #tpu.memory_space<vmem>>, vector<16xf32>,
        %parallel_loop3A_410 = vector.shape_cast %parallel_loop3A_409 : vector<16xf32> to vector<16xf32>
        %parallel_loop3A_411 = vector.shape_cast %parallel_loop3A_407 : vector<16xf32> to vector<16xf32>
        tpu.vector_store %arg34[%parallel_loop3A_408], %parallel_loop3A_411 {strides = array<i32>} : memref<4000xf32, #tpu.memory_space<vmem>>, vector<16xf32>,
      } {sc.loop_unroll_factor = 4 : i64, sc.parallel_access}
      %mul3A_382 = arith.constant 4000 : i32
      %mul3A_383 = arith.muli %add3A_366, %mul3A_382 : i32
      %add3A_384 = arith.addi %mul3A_2, %mul3A_383 : i32
      %dma_start3A_385 = tpu.memref_slice %arg4[%add3A_384] : memref<6400000xf32, #tpu.memory_space<hbm>> -> memref<4000xf32, #tpu.memory_space<hbm>>
      %dma_start3A_386 = tpu.memref_slice %arg4[%add3A_384] : memref<6400000xf32, #tpu.memory_space<hbm>> -> memref<4000xf32, #tpu.memory_space<hbm>>
      tpu.enqueue_dma source(%arg34 : memref<4000xf32, #tpu.memory_space<vmem>>) target(%dma_start3A_386 : memref<4000xf32, #tpu.memory_space<hbm>>) target_semaphore(%arg64 : memref<!tpu.dma_semaphore, #tpu.memory_space<semaphore_mem>>)
      %lt3A_387 = arith.constant 4 : i32
      %lt3A_388 = arith.cmpi slt, %scan3A_106, %lt3A_387 : i32
      %convert_element_type3A_389 = arith.extui %lt3A_388 : i1 to i32
      %cond3A_390 = arith.constant 0 : i32
      %cond3A_391 = arith.cmpi ne, %convert_element_type3A_389, %cond3A_390 : i32
      scf.if %cond3A_391 {
        %add3A_392 = arith.constant 10 : i32
        %add3A_393 = arith.addi %add3A_366, %add3A_392 : i32
        %mul3A_394 = arith.constant 4000 : i32
        %mul3A_395 = arith.muli %add3A_393, %mul3A_394 : i32
        %add3A_396 = arith.addi %mul3A_2, %mul3A_395 : i32
        %dma_start3A_397 = tpu.memref_slice %arg2[%add3A_396] : memref<6400000xf32, #tpu.memory_space<hbm>> -> memref<4000xf32, #tpu.memory_space<hbm>>
        %dma_start3A_398 = tpu.memref_slice %arg2[%add3A_396] : memref<6400000xf32, #tpu.memory_space<hbm>> -> memref<4000xf32, #tpu.memory_space<hbm>>
        tpu.enqueue_dma source(%dma_start3A_398 : memref<4000xf32, #tpu.memory_space<hbm>>) target(%arg14 : memref<4000xf32, #tpu.memory_space<vmem>>) target_semaphore(%arg44 : memref<!tpu.dma_semaphore, #tpu.memory_space<semaphore_mem>>)
        %dma_start3A_399 = tpu.memref_slice %arg3[%add3A_396] : memref<6400000xf32, #tpu.memory_space<hbm>> -> memref<4000xf32, #tpu.memory_space<hbm>>
        %dma_start3A_400 = tpu.memref_slice %arg3[%add3A_396] : memref<6400000xf32, #tpu.memory_space<hbm>> -> memref<4000xf32, #tpu.memory_space<hbm>>
        tpu.enqueue_dma source(%dma_start3A_400 : memref<4000xf32, #tpu.memory_space<hbm>>) target(%arg24 : memref<4000xf32, #tpu.memory_space<vmem>>) target_semaphore(%arg54 : memref<!tpu.dma_semaphore, #tpu.memory_space<semaphore_mem>>)
      } else {
      }
    }
    %scan3A_66 = arith.constant 5 : i32
    %add3A_67 = arith.constant 160000 : i32
    %add3A_68 = arith.addi %mul3A_2, %add3A_67 : i32
    %dma_wait3A = tpu.memref_slice %arg4[%add3A_68] : memref<6400000xf32, #tpu.memory_space<hbm>> -> memref<4000xf32, #tpu.memory_space<hbm>>
    %dma_wait3A_69 = tpu.memref_slice %arg4[%add3A_68] : memref<6400000xf32, #tpu.memory_space<hbm>> -> memref<4000xf32, #tpu.memory_space<hbm>>
    tpu.wait_dma2 semaphore(%arg55 : memref<!tpu.dma_semaphore, #tpu.memory_space<semaphore_mem>>) src(%arg25 : memref<4000xf32, #tpu.memory_space<vmem>>) dst(%dma_wait3A_69 : memref<4000xf32, #tpu.memory_space<hbm>>)
    %add3A_70 = arith.constant 164000 : i32
    %add3A_71 = arith.addi %mul3A_2, %add3A_70 : i32
    %dma_wait3A_72 = tpu.memref_slice %arg4[%add3A_71] : memref<6400000xf32, #tpu.memory_space<hbm>> -> memref<4000xf32, #tpu.memory_space<hbm>>
    %dma_wait3A_73 = tpu.memref_slice %arg4[%add3A_71] : memref<6400000xf32, #tpu.memory_space<hbm>> -> memref<4000xf32, #tpu.memory_space<hbm>>
    tpu.wait_dma2 semaphore(%arg56 : memref<!tpu.dma_semaphore, #tpu.memory_space<semaphore_mem>>) src(%arg26 : memref<4000xf32, #tpu.memory_space<vmem>>) dst(%dma_wait3A_73 : memref<4000xf32, #tpu.memory_space<hbm>>)
    %add3A_74 = arith.constant 168000 : i32
    %add3A_75 = arith.addi %mul3A_2, %add3A_74 : i32
    %dma_wait3A_76 = tpu.memref_slice %arg4[%add3A_75] : memref<6400000xf32, #tpu.memory_space<hbm>> -> memref<4000xf32, #tpu.memory_space<hbm>>
    %dma_wait3A_77 = tpu.memref_slice %arg4[%add3A_75] : memref<6400000xf32, #tpu.memory_space<hbm>> -> memref<4000xf32, #tpu.memory_space<hbm>>
    tpu.wait_dma2 semaphore(%arg57 : memref<!tpu.dma_semaphore, #tpu.memory_space<semaphore_mem>>) src(%arg27 : memref<4000xf32, #tpu.memory_space<vmem>>) dst(%dma_wait3A_77 : memref<4000xf32, #tpu.memory_space<hbm>>)
    %add3A_78 = arith.constant 172000 : i32
    %add3A_79 = arith.addi %mul3A_2, %add3A_78 : i32
    %dma_wait3A_80 = tpu.memref_slice %arg4[%add3A_79] : memref<6400000xf32, #tpu.memory_space<hbm>> -> memref<4000xf32, #tpu.memory_space<hbm>>
    %dma_wait3A_81 = tpu.memref_slice %arg4[%add3A_79] : memref<6400000xf32, #tpu.memory_space<hbm>> -> memref<4000xf32, #tpu.memory_space<hbm>>
    tpu.wait_dma2 semaphore(%arg58 : memref<!tpu.dma_semaphore, #tpu.memory_space<semaphore_mem>>) src(%arg28 : memref<4000xf32, #tpu.memory_space<vmem>>) dst(%dma_wait3A_81 : memref<4000xf32, #tpu.memory_space<hbm>>)
    %add3A_82 = arith.constant 176000 : i32
    %add3A_83 = arith.addi %mul3A_2, %add3A_82 : i32
    %dma_wait3A_84 = tpu.memref_slice %arg4[%add3A_83] : memref<6400000xf32, #tpu.memory_space<hbm>> -> memref<4000xf32, #tpu.memory_space<hbm>>
    %dma_wait3A_85 = tpu.memref_slice %arg4[%add3A_83] : memref<6400000xf32, #tpu.memory_space<hbm>> -> memref<4000xf32, #tpu.memory_space<hbm>>
    tpu.wait_dma2 semaphore(%arg59 : memref<!tpu.dma_semaphore, #tpu.memory_space<semaphore_mem>>) src(%arg29 : memref<4000xf32, #tpu.memory_space<vmem>>) dst(%dma_wait3A_85 : memref<4000xf32, #tpu.memory_space<hbm>>)
    %add3A_86 = arith.constant 180000 : i32
    %add3A_87 = arith.addi %mul3A_2, %add3A_86 : i32
    %dma_wait3A_88 = tpu.memref_slice %arg4[%add3A_87] : memref<6400000xf32, #tpu.memory_space<hbm>> -> memref<4000xf32, #tpu.memory_space<hbm>>
    %dma_wait3A_89 = tpu.memref_slice %arg4[%add3A_87] : memref<6400000xf32, #tpu.memory_space<hbm>> -> memref<4000xf32, #tpu.memory_space<hbm>>
    tpu.wait_dma2 semaphore(%arg60 : memref<!tpu.dma_semaphore, #tpu.memory_space<semaphore_mem>>) src(%arg30 : memref<4000xf32, #tpu.memory_space<vmem>>) dst(%dma_wait3A_89 : memref<4000xf32, #tpu.memory_space<hbm>>)
    %add3A_90 = arith.constant 184000 : i32
    %add3A_91 = arith.addi %mul3A_2, %add3A_90 : i32
    %dma_wait3A_92 = tpu.memref_slice %arg4[%add3A_91] : memref<6400000xf32, #tpu.memory_space<hbm>> -> memref<4000xf32, #tpu.memory_space<hbm>>
    %dma_wait3A_93 = tpu.memref_slice %arg4[%add3A_91] : memref<6400000xf32, #tpu.memory_space<hbm>> -> memref<4000xf32, #tpu.memory_space<hbm>>
    tpu.wait_dma2 semaphore(%arg61 : memref<!tpu.dma_semaphore, #tpu.memory_space<semaphore_mem>>) src(%arg31 : memref<4000xf32, #tpu.memory_space<vmem>>) dst(%dma_wait3A_93 : memref<4000xf32, #tpu.memory_space<hbm>>)
    %add3A_94 = arith.constant 188000 : i32
    %add3A_95 = arith.addi %mul3A_2, %add3A_94 : i32
    %dma_wait3A_96 = tpu.memref_slice %arg4[%add3A_95] : memref<6400000xf32, #tpu.memory_space<hbm>> -> memref<4000xf32, #tpu.memory_space<hbm>>
    %dma_wait3A_97 = tpu.memref_slice %arg4[%add3A_95] : memref<6400000xf32, #tpu.memory_space<hbm>> -> memref<4000xf32, #tpu.memory_space<hbm>>
    tpu.wait_dma2 semaphore(%arg62 : memref<!tpu.dma_semaphore, #tpu.memory_space<semaphore_mem>>) src(%arg32 : memref<4000xf32, #tpu.memory_space<vmem>>) dst(%dma_wait3A_97 : memref<4000xf32, #tpu.memory_space<hbm>>)
    %add3A_98 = arith.constant 192000 : i32
    %add3A_99 = arith.addi %mul3A_2, %add3A_98 : i32
    %dma_wait3A_100 = tpu.memref_slice %arg4[%add3A_99] : memref<6400000xf32, #tpu.memory_space<hbm>> -> memref<4000xf32, #tpu.memory_space<hbm>>
    %dma_wait3A_101 = tpu.memref_slice %arg4[%add3A_99] : memref<6400000xf32, #tpu.memory_space<hbm>> -> memref<4000xf32, #tpu.memory_space<hbm>>
    tpu.wait_dma2 semaphore(%arg63 : memref<!tpu.dma_semaphore, #tpu.memory_space<semaphore_mem>>) src(%arg33 : memref<4000xf32, #tpu.memory_space<vmem>>) dst(%dma_wait3A_101 : memref<4000xf32, #tpu.memory_space<hbm>>)
    %add3A_102 = arith.constant 196000 : i32
    %add3A_103 = arith.addi %mul3A_2, %add3A_102 : i32
    %dma_wait3A_104 = tpu.memref_slice %arg4[%add3A_103] : memref<6400000xf32, #tpu.memory_space<hbm>> -> memref<4000xf32, #tpu.memory_space<hbm>>
    %dma_wait3A_105 = tpu.memref_slice %arg4[%add3A_103] : memref<6400000xf32, #tpu.memory_space<hbm>> -> memref<4000xf32, #tpu.memory_space<hbm>>
    tpu.wait_dma2 semaphore(%arg64 : memref<!tpu.dma_semaphore, #tpu.memory_space<semaphore_mem>>) src(%arg34 : memref<4000xf32, #tpu.memory_space<vmem>>) dst(%dma_wait3A_105 : memref<4000xf32, #tpu.memory_space<hbm>>)
    return
  }
}

module attributes {stable_mosaic.version = 14 : i64} {
  func.func @body(%arg0: i32, %arg1: memref<2x640000xi32, #tpu.memory_space<vmem>>, %arg2: memref<2x640000xi32, #tpu.memory_space<vmem>>) attributes {dimension_semantics = [#tpu.dimension_semantics<arbitrary>], iteration_bounds = array<i64: 10>, scalar_prefetch = 0 : i64, scratch_operands = 0 : i64, tpu.core_type = #tpu.core_type<tc>, window_params = [{transform_indices = @transform_0, window_bounds = array<i64: 2, 640000>}, {transform_indices = @transform_1, window_bounds = array<i64: 2, 640000>}]} {
    %get3A = arith.constant 0 : index
    %get3A_0 = arith.constant 0 : index
    %get3A_1 = vector.load %arg1[%get3A, %get3A_0] : memref<2x640000xi32, #tpu.memory_space<vmem>>, vector<2x640000xi32>
    %swap3A = arith.constant 0 : index
    %swap3A_2 = arith.constant 0 : index
    %swap3A_3 = vector.load %arg2[%swap3A, %swap3A_2] : memref<2x640000xi32, #tpu.memory_space<vmem>>, vector<2x640000xi32>
    tpu.vector_store %arg2[%swap3A, %swap3A_2], %get3A_1 {strides = array<i32>} : memref<2x640000xi32, #tpu.memory_space<vmem>>, vector<2x640000xi32>,
    return
  }
  func.func @transform_0(%arg0: i32) -> (i32, i32) {
    %c0_i32 = arith.constant 0 : i32
    %c0_i32_0 = arith.constant 0 : i32
    return %c0_i32, %arg0 : i32, i32
  }
  func.func @transform_1(%arg0: i32) -> (i32, i32) {
    %c0_i32 = arith.constant 0 : i32
    %c0_i32_0 = arith.constant 0 : i32
    return %c0_i32, %arg0 : i32, i32
  }
}

</mosaic_0001>

<sc_bundles>
// kernel: kernel.4.cloned.1.call-start
scs
__scs_entry_jumppad:
0x0: {  	(pc) =	sbr.rel $0x88, $3  }
0x1: {  	(tag) =	ssettag $0x0;
	lr =	simm.s32 $0x1  }
0x2: {  	[smem:$0x3F9E] =	sst lr;
	_ =	strace $0xD0000000  }
0x3: {  	_ = 	snop  }
0x4: {  	_ = 	snop  }
0x5: {  	_ = 	snop  }
0x6: {  	_ = 	snop  }
0x7: {  	_ = 	snop  }
__scs_overlays_trampoline_lowered:
0x8: {  	[smem:$0x3FAD] =	sst s0  }
0x9: {  	[smem:$0x3FAE] =	sst s1  }
0xa: {  	[smem:$0x3FAF] =	sst s2  }
0xb: {  	[smem:$0x3FB0] =	sst s3  }
0xc: {  	[smem:$0x3FB1] =	sst s4  }
0xd: {  	[smem:$0x3FB2] =	sst s5  }
0xe: {  	[smem:$0x3FB3] =	sst s6  }
0xf: {  	[smem:$0x3FB4] =	sst s7  }
0x10: {  	[smem:$0x3FB5] =	sst s8  }
0x11: {  	[smem:$0x3FB6] =	sst s9;
	s0 =	simm.s32 @!p0 $0x0  }
0x12: {  	s1 =	sld [smem:$0x3F9C];
	s0 =	simm.s32 @p0 $0x1  }
0x13: {  	[smem:$0x3FB7] =	sst s0;
	s0 =	simm.s32 @!p1 $0x0  }
0x14: {  	s2 =	sld [smem:$0x3F9B];
	s0 =	simm.s32 @p1 $0x1  }
0x15: {  	[smem:$0x3FB8] =	sst s0;
	s0 =	simm.s32 @!p2 $0x0  }
0x16: {  	s3 =	sld [smem:$0x3FDB];
	s0 =	simm.s32 @p2 $0x1  }
0x17: {  	s4 =	simm.s32 $0x1BF5;
	[smem:$0x3FBA] =	sst s0  }
0x18: {  	s0 =	sld [smem:$0x3F9D];
	_ =	swait.ge [sflag:s4], $0x0  }
0x19: {  	s7 =	sld [smem:$0x3F9E]  }
0x1a: {  	s8 =	sadd.s32 $0xFFFFE003, lr  }
0x1b: {  	s9 =	sadd.s32 $0xFFFFFEF7, lr;
	s5 =	simm.s32 $0xFFFFFFFF;
	p2 =	slt.u32 s8, $0xFFFFF086  }
0x1c: {  	p1 =	slt.u32 s9, $0xF7A;
	s5 =	simm.s32 @!p2 $0x0  }
0x1d: {  	s5 =	simm.s32 @p1 $0x1;
	p0 =	seq.s32 s7, s2  }
0x1e: {  	s7 =	smul.u32 @!p0 $0xF7A, s2;
	p2 =	seq.s32 @!p0 s5, $0x0  }
0x1f: {  	s9 =	smul.u32 $0xF7A, s1;
	s8 =	simm.s32 @!p0 $0x1BF5;
	p2 =	por !p2, p0  }
0x20: {  	[sflag:s8] =	ssyncset.s32 @!p0 $0xFFFFF086;
	s6 =	sadd.s32 @!p0 s3, s7;
	s7 =	simm.s32 @!p0 $0x108  }
0x21: {  	s3 =	sadd.s32 s3, s9;
	s6 =	sadd.s32 @!p0 $0x88, s6;
	s7 =	simm.s32 @p2 $0x1082  }
0x22: {  	[simem:s7], [sflag:s8] =	dma.local @!p0 [hbm:s6], $0xF7A  }
0x23: {  	s9 =	sor.u32 $0xD0000000, s2;
	s6 =	simm.s32 $0x108;
	_ =	swait.ge @!p0 [sflag:s8], $0x0  }
0x24: {  	s3 =	sadd.s32 $0x88, s3;
	s6 =	simm.s32 @!p1 $0x1082;
	[sflag:s4] =	ssyncset.s32 $0xFFFFF086  }
0x25: {  	[simem:s6], [sflag:s4] =	dma.local [hbm:s3], $0xF7A  }
0x26: {  	[smem:$0x3F9E] =	sst s1;
	(tag) =	ssettag s2;
	_ =	strace s9  }
0x27: {  	s1 =	sld [smem:$0x3FAE]  }
0x28: {  	s2 =	sld [smem:$0x3FAF]  }
0x29: {  	s4 =	sld [smem:$0x3FB1]  }
0x2a: {  	p0 =	seq.s32 s5, $0x0;
	s5 =	sld [smem:$0x3FB2]  }
0x2b: {  	s6 =	sld [smem:$0x3FB3]  }
0x2c: {  	s7 =	sld [smem:$0x3FB4]  }
0x2d: {  	s3 =	simm.s32 $0x108;
	s8 =	sld [smem:$0x3FB5]  }
0x2e: {  	s3 =	simm.s32 @!p0 $0x1082;
	s9 =	sld [smem:$0x3FB6]  }
0x2f: {  	lr =	sadd.s32 s0, s3;
	s0 =	sld [smem:$0x3FAD]  }
0x30: {  	s3 =	sld [smem:$0x3FB0]  }
0x31: {  	[smem:$0x3FB9] =	sst s10  }
0x32: {  	s10 =	sld [smem:$0x3FB7];
	_ =	sdelay $0x3  }
0x33: {  	p0 =	seq.s32 s10, $0x1;
	s10 =	sld [smem:$0x3FB9];
	_ =	sdelay $0x3  }
0x34: {  	[smem:$0x3FB9] =	sst s10  }
0x35: {  	s10 =	sld [smem:$0x3FB8];
	_ =	sdelay $0x3  }
0x36: {  	p1 =	seq.s32 s10, $0x1;
	s10 =	sld [smem:$0x3FB9];
	_ =	sdelay $0x3  }
0x37: {  	[smem:$0x3FB9] =	sst s10  }
0x38: {  	s10 =	sld [smem:$0x3FBA]  }
0x39: {  	_ = 	snop;
	(pc) =	sbr.ind lr, $3  }
0x3a: {  	_ = 	snop  }
0x3b: {  	_ = 	snop  }
0x3c: {  	p2 =	seq.s32 s10, $0x1;
	s10 =	sld [smem:$0x3FB9]  }
0x3d: {  	_ =	shalt  }
0x3e: {  	_ =	shalt  }
0x3f: {  	_ =	shalt  }
0x40: {  	_ =	shalt  }
0x41: {  	_ =	shalt  }
0x42: {  	_ =	shalt  }
0x43: {  	_ =	shalt  }
0x44: {  	_ =	shalt  }
0x45: {  	_ =	shalt  }
0x46: {  	_ =	shalt  }
0x47: {  	_ =	shalt  }
0x48: {  	_ =	shalt  }
0x49: {  	_ =	shalt  }
0x4a: {  	_ =	shalt  }
0x4b: {  	_ =	shalt  }
0x4c: {  	_ =	shalt  }
0x4d: {  	_ =	shalt  }
0x4e: {  	_ =	shalt  }
0x4f: {  	_ =	shalt  }
0x50: {  	_ =	shalt  }
0x51: {  	_ =	shalt  }
0x52: {  	_ =	shalt  }
0x53: {  	_ =	shalt  }
0x54: {  	_ =	shalt  }
0x55: {  	_ =	shalt  }
0x56: {  	_ =	shalt  }
0x57: {  	_ =	shalt  }
0x58: {  	_ =	shalt  }
0x59: {  	_ =	shalt  }
0x5a: {  	_ =	shalt  }
0x5b: {  	_ =	shalt  }
0x5c: {  	_ =	shalt  }
0x5d: {  	_ =	shalt  }
0x5e: {  	_ =	shalt  }
0x5f: {  	_ =	shalt  }
0x60: {  	_ =	shalt  }
0x61: {  	_ =	shalt  }
0x62: {  	_ =	shalt  }
0x63: {  	_ =	shalt  }
0x64: {  	_ =	shalt  }
0x65: {  	_ =	shalt  }
0x66: {  	_ =	shalt  }
0x67: {  	_ =	shalt  }
0x68: {  	_ =	shalt  }
0x69: {  	_ =	shalt  }
0x6a: {  	_ =	shalt  }
0x6b: {  	_ =	shalt  }
0x6c: {  	_ =	shalt  }
0x6d: {  	_ =	shalt  }
0x6e: {  	_ =	shalt  }
0x6f: {  	_ =	shalt  }
0x70: {  	_ =	shalt  }
0x71: {  	_ =	shalt  }
0x72: {  	_ =	shalt  }
0x73: {  	_ =	shalt  }
0x74: {  	_ =	shalt  }
0x75: {  	_ =	shalt  }
0x76: {  	_ =	shalt  }
0x77: {  	_ =	shalt  }
0x78: {  	_ =	shalt  }
0x79: {  	_ =	shalt  }
0x7a: {  	_ =	shalt  }
0x7b: {  	_ =	shalt  }
0x7c: {  	_ =	shalt  }
0x7d: {  	_ =	shalt  }
0x7e: {  	_ =	shalt  }
0x7f: {  	_ =	shalt  }
0x80: {  	_ =	shalt  }
0x81: {  	_ =	shalt  }
0x82: {  	_ =	shalt  }
0x83: {  	_ =	shalt  }
0x84: {  	_ =	shalt  }
0x85: {  	_ =	shalt  }
0x86: {  	_ =	shalt  }
0x87: {  	_ =	shalt  }
.Lfunc_end0:
.L_simem_size_0:
called_computation_lowered:
.L_overlay_start_0:
0x88: {  	s2 =	sld [smem:$0x3FD9]  }
0x89: {  	s3 =	sld [smem:$0x3FFE];
	_ =	sdelay $0x1  }
0x8a: {  	s1 =	srdreg.scid  }
0x8b: {  	s0 =	sand.u32 $0x1, s1  }
0x8c: {  	s15 =	sshll.u32 s0, $0xA;
	s2 =	sadd.s32 s3, s2  }
0x8d: {  	s2 =	sadd.s32 s2, s15  }
0x8e: {  	[smem:$0x3FC5] =	sst s2  }
0x8f: {  	_ = 	snop  }
0x90: {  	s2 =	sld [smem:$0x3FD0];
	_ =	sdelay $0x1  }
0x91: {  	s16 =	sld [smem:$0x3FC8]  }
0x92: {  	s5 =	simm.s32 $0xA;
	s6 =	simm.s32 $0x10;
	s4 =	sld [smem:$0x3FC7]  }
0x93: {  	[smem:s6], [sflag:s5] =	dma.local [hbm:s2], $0x1  }
0x94: {  	_ =	swait.eq [sflag:s5], $0x1  }
0x95: {  	[sflag:s5] =	ssyncset.done $0x0  }
0x96: {  	[sflag:s5] =	ssyncadd.s32 $0xFFFFFFFF  }
0x97: {  	s17 =	sld [smem:$0x11];
	(tm) =	ssettm $0x1  }
0x98: {  	s18 =	sld [smem:$0x3FFB];
	_ =	sdelay $0x3  }
0x99: {  	_ =	strace s18  }
0x9a: {  	s5 =	sld [smem:$0x3FFC];
	_ =	sdelay $0x3  }
0x9b: {  	_ =	strace s5  }
0x9c: {  	s5 =	sld [smem:$0x3FFD];
	_ =	sdelay $0x3  }
0x9d: {  	_ =	strace s5  }
0x9e: {  	_ =	strace $0x8FFFFFFF  }
0x9f: {  	s19 =	sld [smem:$0x3FDB];
	_ =	sdelay $0x1  }
0xa0: {  	s20 =	simm.s32 $_scs_section_size  }
0xa1: {  	s7 =	simm.s32 $_size__tile_overlayer_lowered;
	s8 =	simm.s32 $_tile_overlayer_lowered  }
0xa2: {  	s23 =	simm.s32 $0x1BFF;
	s22 =	sshll.u32 s8, $0x1;
	s5 =	sadd.s32 s20, s19  }
0xa3: {  	s9 =	simm.s32 $0x0;
	s21 =	sshll.u32 s7, $0x1;
	s7 =	sadd.s32 s22, s5  }
0xa4: {  	[timem:s9], [sflag:s23] =	dma.local [hbm:s7], s21  }
0xa5: {  	_ =	swait.ge [sflag:s23], s21  }
0xa6: {  	s6 =	ssub.s32 $0x0, s21;
	[sflag:s23] =	ssyncset.done $0x0  }
0xa7: {  	[sflag:s23] =	ssyncadd.s32 s6;
	_ =	sdelay $0x1  }
0xa8: {  	s24 =	simm.s32 $0x1B8B  }
0xa9: {  	_ =	swait.ge [sflag:s24], $0x1  }
0xaa: {  	[sflag:s24] =	ssyncset.done $0x0  }
0xab: {  	s25 =	simm.s32 $0x1B8E;
	[sflag:s24] =	ssyncadd.s32 $0xFFFFFFFF  }
0xac: {  	s26 =	simm.s32 $execute0_lowered;
	[smem:$0x3FD2] =	sst s25  }
0xad: {  	s6 =	sshll.u32 s26, $0x1;
	_ =	strace $0x80000046;
	[dreg:$0x1] =	wrdreg $0xFFFFFFFF  }
0xae: {  	s28 =	simm.s32 $_size_execute0_lowered;
	s5 =	sadd.s32 s5, s6;
	[dreg:$0x0] =	wrdreg $0x0  }
0xaf: {  	s6 =	sshll.u32 s28, $0x1;
	[dreg:$0x2] =	wrdreg s5  }
0xb0: {  	[dreg:$0x3] =	wrdreg s6  }
0xb1: {  	[dreg:$0x4] =	wrdreg $0xC0  }
0xb2: {  	_ =	task [dreg:s9], $0x5FFFF  }
0xb3: {  	[dreg:$0x1] =	wrdreg $0xFFFFFFFF  }
0xb4: {  	[dreg:$0x0] =	wrdreg $0x60  }
0xb5: {  	[dreg:$0x2] =	wrdreg s16  }
0xb6: {  	[dreg:$0x3] =	wrdreg s4  }
0xb7: {  	[dreg:$0x4] =	wrdreg s17  }
0xb8: {  	[dreg:$0x5] =	wrdreg $0x9  }
0xb9: {  	_ =	task.clear_ibuf [dreg:s9], $0x6FFFF;
	_ =	strace $0x90000046  }
0xba: {  	s29 =	simm.s32 $0x9;
	_ =	strace $0x80000048  }
0xbb: {  	_ =	swait.ge [sflag:s29], $0x1  }
0xbc: {  	[sflag:s29] =	ssyncadd.s32 $0xFFFFFFFF  }
0xbd: {  	_ =	strace $0x90000048  }
0xbe: {  	_ =	sfence  }
0xbf: {  	s30 =	sld [smem:$0x0];
	_ =	sdelay $0x2  }
0xc0: {  	s31 =	sshll.u32 s1, $0xD;
	s1 =	sshrl.u32 s1, $0x2  }
0xc1: {  	s3 =	sand.u32 $0x4000, s31;
	s1 =	sadd.s32 s1, s30  }
0xc2: {  	s0 =	sor.u32 s3, s0;
	s1 =	sshll.u32 s1, $0x11  }
0xc3: {  	s0 =	sor.u32 s1, s0  }
0xc4: {  	s0 =	sadd.s32 $0x8F2B, s0  }
0xc5: {  	[sflag:s0] =	ssyncadd.remote.s32 $0x1  }
0xc6: {  	_ =	sfence.sel $0xFFFF  }
0xc7: {  	[dreg:$0x0] =	wrdreg $0xFFFFFFFF;
	(pc) =	sbr.abs _section_cstart, $3  }
0xc8: {  	[dreg:$0x1] =	wrdreg $0xFFFFFFFF  }
0xc9: {  	_ =	task.clear_ibuf [dreg:s9], $0x2FFFF;
	_ =	strace $0x9FFFFFFF  }
0xca: {  	(tm) =	ssettm $0x7FFFFFFF  }
0xcb: {  	_ =	shalt  }
tec
execute0_lowered:
.L_overlay_start_1:
0x0: {  	(tag) =	ssettag $0x1  }
0x1: {  	s0 =	srdreg.scid;
	s2 =	stileid.u32  }
0x2: {  	s1 =	rddreg [dreg:$0x0];
	s0 =	sand.u32 $0x1, s0;
	s2 =	sshll.u32 s2, $0x1  }
0x3: {  	s3 =	rddreg [dreg:$0x1];
	s2 =	sor.u32 s0, s2  }
0x4: {  	s4 =	rddreg [dreg:$0x2];
	s5 =	simm.s32 $0x0;
	s7 =	smul.u32 $0x30D40, s2  }
0x5: {  	[smem:$0x7FF] =	sst s5  }
0x6: {  	_ =	strace $0x80000047;
	s6 =	sadd.s32 $0xFA0, s7;
	[dreg:$0x4] =	wrdreg s7  }
0x7: {  	s11 =	sadd.s32 $0x1F40, s7;
	[dreg:$0x5] =	wrdreg s6  }
0x8: {  	s15 =	sadd.s32 $0x2EE0, s7;
	[dreg:$0x7] =	wrdreg s11  }
0x9: {  	s17 =	sadd.s32 $0x3E80, s7;
	[dreg:$0xc] =	wrdreg s15  }
0xa: {  	s0 =	ssub.s32 $0x2, s0;
	s19 =	sadd.s32 $0x4E20, s7;
	[dreg:$0xe] =	wrdreg s17  }
0xb: {  	s9 =	sshrl.u32 s0, $0x1;
	s23 =	sadd.s32 $0x5DC0, s7;
	[dreg:$0x10] =	wrdreg s19  }
0xc: {  	s0 =	ssub.s32 s0, s9;
	s25 =	sadd.s32 $0x6D60, s7;
	[dreg:$0x15] =	wrdreg s23  }
0xd: {  	s10 =	sshrl.u32 s7, $0x3;
	s0 =	smax.u32 s0, $0x1;
	[dreg:$0x17] =	wrdreg s25  }
0xe: {  	s8 =	sadd.s32 s1, s10;
	[smem:$0x7F3] =	sst s0  }
0xf: {  	s2 =	sadd.s32 s3, s10;
	[dreg:$0x6] =	wrdreg s8  }
0x10: {  	s6 =	sshrl.u32 s6, $0x3;
	s10 =	sadd.s32 $0x7D00, s7;
	[dreg:$0x8] =	wrdreg s2  }
0x11: {  	s13 =	sshrl.u32 s11, $0x3;
	s11 =	sadd.s32 $0x8CA0, s7;
	[dreg:$0x1b] =	wrdreg s10  }
0x12: {  	s21 =	sshrl.u32 s19, $0x3;
	s19 =	sadd.s32 $0xBB80, s7;
	[dreg:$0x1c] =	wrdreg s11  }
0x13: {  	s24 =	sshrl.u32 s23, $0x3;
	s23 =	sadd.s32 $0xFA00, s7;
	[smem:$0x7F6] =	sst s19  }
0x14: {  	s9 =	sshrl.u32 s25, $0x3;
	s25 =	sadd.s32 $0x11940, s7;
	[smem:$0x7FA] =	sst s23  }
0x15: {  	s12 =	sadd.s32 s1, s6;
	[smem:$0x7FC] =	sst s25  }
0x16: {  	s6 =	sadd.s32 s3, s6;
	[dreg:$0x9] =	wrdreg s12  }
0x17: {  	s14 =	sadd.s32 s1, s13;
	[dreg:$0xa] =	wrdreg s6  }
0x18: {  	s16 =	sshrl.u32 s15, $0x3;
	s2 =	sadd.s32 s3, s13;
	[dreg:$0xb] =	wrdreg s14  }
0x19: {  	s18 =	sadd.s32 s1, s16;
	[dreg:$0xd] =	wrdreg s2  }
0x1a: {  	s22 =	sadd.s32 s1, s21;
	[dreg:$0xf] =	wrdreg s18  }
0x1b: {  	s29 =	simm.s32 $0x4;
	s26 =	sadd.s32 s1, s24;
	[dreg:$0x14] =	wrdreg s22  }
0x1c: {  	s13 =	sshrl.u32 s11, $0x3;
	s2 =	sadd.s32 s3, s16;
	[dreg:$0x18] =	wrdreg s26  }
0x1d: {  	s28 =	simm.s32 $0xF;
	s15 =	sadd.s32 s1, s13;
	[dreg:$0x11] =	wrdreg s2  }
0x1e: {  	s30 =	simm.s32 $0x9;
	s16 =	sadd.s32 s3, s13;
	[smem:$0x7F1] =	sst s15  }
0x1f: {  	s6 =	sshrl.u32 s17, $0x3;
	s17 =	sadd.s32 $0x9C40, s7;
	[smem:$0x7F2] =	sst s16  }
0x20: {  	s31 =	simm.s32 $0x13;
	s18 =	sadd.s32 $0xABE0, s7;
	[smem:$0x7F4] =	sst s17  }
0x21: {  	s23 =	simm.s32 $0x8;
	s22 =	sadd.s32 $0xEA60, s7;
	[smem:$0x7F5] =	sst s18  }
0x22: {  	s25 =	simm.s32 $0x12;
	s26 =	sadd.s32 $0x128E0, s7;
	[smem:$0x7F9] =	sst s22  }
0x23: {  	s11 =	simm.s32 $0x0;
	s20 =	sadd.s32 s1, s6;
	[smem:$0x7FD] =	sst s26  }
0x24: {  	s12 =	sshrl.u32 s10, $0x3;
	s6 =	sadd.s32 s3, s6;
	[dreg:$0x12] =	wrdreg s20  }
0x25: {  	s10 =	simm.s32 $0xD;
	s2 =	sadd.s32 s3, s21;
	[dreg:$0x13] =	wrdreg s6  }
0x26: {  	s13 =	simm.s32 $0xA;
	s14 =	sadd.s32 s1, s12;
	[dreg:$0x16] =	wrdreg s2  }
0x27: {  	s21 =	sadd.s32 $0xDAC0, s7;
	s16 =	simm.s32 $0x10;
	[dreg:$0x1e] =	wrdreg s14  }
0x28: {  	s18 =	simm.s32 $0x7;
	s2 =	sadd.s32 s3, s24;
	[smem:$0x7F8] =	sst s21  }
0x29: {  	s15 =	simm.s32 $0x14;
	s6 =	sadd.s32 s1, s9;
	[dreg:$0x19] =	wrdreg s2  }
.Ltmp0:
0x2a: {  	s20 =	sadd.s32 $0xCB20, s7;
	[dreg:$0x1a] =	wrdreg s6;
	(pc) =	sbr.rel .LBB2_1-.Ltmp0, $4  }
0x2b: {  	s24 =	sadd.s32 $0x109A0, s7;
	s7 =	simm.s32 $0xE;
	[smem:$0x7F7] =	sst s20  }
0x2c: {  	s14 =	simm.s32 $0x6;
	s2 =	sadd.s32 s3, s9;
	[smem:$0x7FB] =	sst s24  }
0x2d: {  	s9 =	simm.s32 $0x5;
	[dreg:$0x1d] =	wrdreg s2;
	s2 =	sadd.s32 s3, s12  }
0x2e: {  	s6 =	simm.s32 $0x11;
	[dreg:$0x1f] =	wrdreg s2;
	s2 =	simm.s32 $0x3  }
.LBB2_44:
0x2f: {  	s0 =	simm.s32 $0x15  }
0x30: {  	_ =	swait.ge [sflag:s0], $0xFA0  }
0x31: {  	[sflag:s0] =	ssyncset.done $0x0  }
0x32: {  	s11 =	simm.s32 $0x16;
	[sflag:s0] =	ssyncadd.s32 $0xFFFFF060  }
0x33: {  	_ =	swait.ge [sflag:s11], $0xFA0  }
0x34: {  	[sflag:s11] =	ssyncset.done $0x0  }
0x35: {  	s12 =	simm.s32 $0x17;
	[sflag:s11] =	ssyncadd.s32 $0xFFFFF060  }
0x36: {  	_ =	swait.ge [sflag:s12], $0xFA0  }
0x37: {  	[sflag:s12] =	ssyncset.done $0x0  }
0x38: {  	s17 =	simm.s32 $0x18;
	[sflag:s12] =	ssyncadd.s32 $0xFFFFF060  }
0x39: {  	_ =	swait.ge [sflag:s17], $0xFA0  }
0x3a: {  	[sflag:s17] =	ssyncset.done $0x0  }
0x3b: {  	s19 =	simm.s32 $0x19;
	[sflag:s17] =	ssyncadd.s32 $0xFFFFF060  }
0x3c: {  	_ =	swait.ge [sflag:s19], $0xFA0  }
0x3d: {  	[sflag:s19] =	ssyncset.done $0x0  }
0x3e: {  	s20 =	simm.s32 $0x1A;
	[sflag:s19] =	ssyncadd.s32 $0xFFFFF060  }
0x3f: {  	_ =	swait.ge [sflag:s20], $0xFA0  }
0x40: {  	[sflag:s20] =	ssyncset.done $0x0  }
0x41: {  	s21 =	simm.s32 $0x1B;
	[sflag:s20] =	ssyncadd.s32 $0xFFFFF060  }
0x42: {  	_ =	swait.ge [sflag:s21], $0xFA0  }
0x43: {  	[sflag:s21] =	ssyncset.done $0x0  }
0x44: {  	s22 =	simm.s32 $0x1C;
	[sflag:s21] =	ssyncadd.s32 $0xFFFFF060  }
0x45: {  	_ =	swait.ge [sflag:s22], $0xFA0  }
0x46: {  	[sflag:s22] =	ssyncset.done $0x0  }
0x47: {  	s24 =	simm.s32 $0x1D;
	[sflag:s22] =	ssyncadd.s32 $0xFFFFF060  }
0x48: {  	_ =	swait.ge [sflag:s24], $0xFA0  }
0x49: {  	[sflag:s24] =	ssyncset.done $0x0  }
0x4a: {  	s8 =	simm.s32 $0x1E;
	[sflag:s24] =	ssyncadd.s32 $0xFFFFF060  }
0x4b: {  	_ =	swait.ge [sflag:s8], $0xFA0  }
0x4c: {  	s11 =	sld [smem:$0x7F0]  }
0x4d: {  	s26 =	sld [smem:$0x7F3];
	_ =	sdelay $0x1  }
0x4e: {  	s11 =	sadd.s32 $0x1, s11  }
0x4f: {  	p0 =	sne.s32 s11, s26  }
.Ltmp1:
0x50: {  	_ = 	snop;
	(pc) =	sbr.rel @!p0 .LBB2_45-.Ltmp1, $3  }
0x51: {  	_ =	sdelay $0x1  }
0x52: {  	[sflag:s8] =	ssyncset.done $0x0  }
0x53: {  	[sflag:s8] =	ssyncadd.s32 $0xFFFFF060  }
.LBB2_1:
0x54: {  	[smem:$0x7F0] =	sst s11  }
0x55: {  	s0 =	rddreg [dreg:$0x6]  }
0x56: {  	s17 =	rddreg [dreg:$0x8]  }
0x57: {  	[tilespmem:s5], [sflag:$0x1] =	stream.linear.gather [hbm4b:s0+s5], $0xFA0, $0x38;
	[tilespmem:$0x1E000] =	vst v63  }
0x58: {  	s8 =	simm.s32 $0xA000;
	s19 =	rddreg [dreg:$0x9]  }
0x59: {  	[tilespmem:s8], [sflag:$0xB] =	stream.linear.gather [hbm4b:s17+s5], $0xFA0, $0x38;
	[tilespmem:$0x1E000] =	vst v63  }
0x5a: {  	s20 =	simm.s32 $0x1000;
	s21 =	rddreg [dreg:$0xa]  }
0x5b: {  	[tilespmem:s20], [sflag:$0x2] =	stream.linear.gather [hbm4b:s19+s5], $0xFA0, $0x38;
	[tilespmem:$0x1E000] =	vst v63  }
0x5c: {  	s22 =	simm.s32 $0xB000;
	s24 =	rddreg [dreg:$0xb]  }
0x5d: {  	[tilespmem:s22], [sflag:$0xC] =	stream.linear.gather [hbm4b:s21+s5], $0xFA0, $0x38;
	[tilespmem:$0x1E000] =	vst v63  }
0x5e: {  	s26 =	simm.s32 $0x2000;
	s12 =	rddreg [dreg:$0xf]  }
0x5f: {  	[tilespmem:s26], [sflag:$0x3] =	stream.linear.gather [hbm4b:s24+s5], $0xFA0, $0x38;
	[tilespmem:$0x1E000] =	vst v63  }
0x60: {  	s11 =	simm.s32 $0xC000;
	s8 =	rddreg [dreg:$0xd]  }
0x61: {  	[tilespmem:s11], [sflag:$0xD] =	stream.linear.gather [hbm4b:s8+s5], $0xFA0, $0x38;
	[tilespmem:$0x1E000] =	vst v63  }
0x62: {  	s17 =	simm.s32 $0x3000;
	s19 =	rddreg [dreg:$0x11]  }
0x63: {  	[tilespmem:s17], [sflag:$0x4] =	stream.linear.gather [hbm4b:s12+s5], $0xFA0, $0x38;
	[tilespmem:$0x1E000] =	vst v63  }
0x64: {  	s20 =	simm.s32 $0xD000;
	s21 =	rddreg [dreg:$0x12]  }
0x65: {  	[tilespmem:s20], [sflag:$0xE] =	stream.linear.gather [hbm4b:s19+s5], $0xFA0, $0x38;
	[tilespmem:$0x1E000] =	vst v63  }
0x66: {  	s22 =	simm.s32 $0x4000;
	s24 =	rddreg [dreg:$0x13]  }
0x67: {  	[tilespmem:s22], [sflag:$0x5] =	stream.linear.gather [hbm4b:s21+s5], $0xFA0, $0x38;
	[tilespmem:$0x1E000] =	vst v63  }
0x68: {  	s26 =	simm.s32 $0xE000;
	s8 =	rddreg [dreg:$0x14]  }
0x69: {  	[tilespmem:s26], [sflag:$0xF] =	stream.linear.gather [hbm4b:s24+s5], $0xFA0, $0x38;
	[tilespmem:$0x1E000] =	vst v63  }
0x6a: {  	s11 =	simm.s32 $0x5000;
	s12 =	rddreg [dreg:$0x16]  }
0x6b: {  	[tilespmem:s11], [sflag:$0x6] =	stream.linear.gather [hbm4b:s8+s5], $0xFA0, $0x38;
	[tilespmem:$0x1E000] =	vst v63  }
0x6c: {  	s17 =	simm.s32 $0xF000;
	s19 =	rddreg [dreg:$0x18]  }
0x6d: {  	[tilespmem:s17], [sflag:$0x10] =	stream.linear.gather [hbm4b:s12+s5], $0xFA0, $0x38;
	[tilespmem:$0x1E000] =	vst v63  }
0x6e: {  	s20 =	simm.s32 $0x6000;
	s21 =	rddreg [dreg:$0x19]  }
0x6f: {  	[tilespmem:s20], [sflag:$0x7] =	stream.linear.gather [hbm4b:s19+s5], $0xFA0, $0x38;
	[tilespmem:$0x1E000] =	vst v63  }
0x70: {  	s22 =	simm.s32 $0x10000;
	s24 =	rddreg [dreg:$0x1a]  }
0x71: {  	[tilespmem:s22], [sflag:$0x11] =	stream.linear.gather [hbm4b:s21+s5], $0xFA0, $0x38;
	[tilespmem:$0x1E000] =	vst v63  }
0x72: {  	s26 =	simm.s32 $0x7000;
	s8 =	rddreg [dreg:$0x1d]  }
0x73: {  	[tilespmem:s26], [sflag:$0x8] =	stream.linear.gather [hbm4b:s24+s5], $0xFA0, $0x38;
	[tilespmem:$0x1E000] =	vst v63  }
0x74: {  	s11 =	simm.s32 $0x11000;
	s12 =	rddreg [dreg:$0x1e]  }
0x75: {  	[tilespmem:s11], [sflag:$0x12] =	stream.linear.gather [hbm4b:s8+s5], $0xFA0, $0x38;
	[tilespmem:$0x1E000] =	vst v63  }
0x76: {  	s17 =	simm.s32 $0x8000;
	s19 =	rddreg [dreg:$0x1f]  }
0x77: {  	[tilespmem:s17], [sflag:$0x9] =	stream.linear.gather [hbm4b:s12+s5], $0xFA0, $0x38;
	[tilespmem:$0x1E000] =	vst v63  }
0x78: {  	s20 =	simm.s32 $0x12000;
	s21 =	sld [smem:$0x7F1]  }
0x79: {  	[tilespmem:s20], [sflag:$0x13] =	stream.linear.gather [hbm4b:s19+s5], $0xFA0, $0x38;
	[tilespmem:$0x1E000] =	vst v63  }
0x7a: {  	s22 =	simm.s32 $0x9000;
	s24 =	sld [smem:$0x7F2]  }
0x7b: {  	[tilespmem:s22], [sflag:$0xA] =	stream.linear.gather [hbm4b:s21+s5], $0xFA0, $0x38;
	[tilespmem:$0x1E000] =	vst v63  }
0x7c: {  	s26 =	simm.s32 $0x13000;
	s17 =	simm.s32 $0x0  }
0x7d: {  	[tilespmem:s26], [sflag:$0x14] =	stream.linear.gather [hbm4b:s24+s5], $0xFA0, $0x38;
	[tilespmem:$0x1E000] =	vst v63  }
.LBB2_2:
0x7e: {  	s0 =	simm.s32 $0x1  }
0x7f: {  	_ =	swait.ge [sflag:s0], $0xFA0  }
0x80: {  	[sflag:s0] =	ssyncset.done $0x0  }
0x81: {  	s24 =	simm.s32 $0xB;
	[sflag:s0] =	ssyncadd.s32 $0xFFFFF060  }
0x82: {  	_ =	swait.ge [sflag:s24], $0xFA0  }
0x83: {  	p0 =	seq.s32 s17, $0x0;
	[sflag:s24] =	ssyncset.done $0x0  }
0x84: {  	s0 =	simm.s32 @!p0 $0x15;
	[sflag:s24] =	ssyncadd.s32 $0xFFFFF060  }
0x85: {  	_ =	swait.ge @!p0 [sflag:s0], $0xFA0  }
0x86: {  	[sflag:s0] =	ssyncset.done @!p0 $0x0  }
0x87: {  	s8 =	simm.s32 $0x20;
	[sflag:s0] =	ssyncadd.s32 @!p0 $0xFFFFF060  }
0x88: {  	s0 =	simm.s32 $0xA020;
	v3 =	vld [tilespmem:s8+$0x10]  }
0x89: {  	v4 =	vld [tilespmem:s0+$0x10]  }
0x8a: {  	v5 =	vld [tilespmem:s8+$0xFFFFFFF0]  }
0x8b: {  	v0 =	vld [tilespmem:s8+$0x0]  }
0x8c: {  	v1 =	vld [tilespmem:s8+$0xFFFFFFE0]  }
0x8d: {  	s19 =	smul.u32 $0x9C40, s17;
	s11 =	simm.s32 $0x0;
	s21 =	simm.s32 $0xAF80;
	v2 =	vld [tilespmem:s0+$0xFFFFFFE0];
	v6 =	vmul.f32 $1.250000000e+00, v3  }
0x8e: {  	s22 =	simm.s32 $0xF80;
	s12 =	simm.s32 $0x60;
	s26 =	rddreg [dreg:$0x4];
	v3 =	vld [tilespmem:s0+$0xFFFFFFF0];
	vm0 =	vgt.f32 v4, $2.000000030e-01  }
0x8f: {  	s24 =	simm.s32 $0x14F80;
	s20 =	sadd.s32 s26, s19;
	s26 =	simm.s32 $0x14020;
	v4 =	vmul.f32 $1.250000000e+00, v5;
	v5 =	vld [tilespmem:s0+$0x0];
	v6 =	vnsel vm0, $0x0, v6  }
.LBB2_3:
0x90: {  	v7 =	vld [tilespmem:s12+$0x10];
	s11 =	sadd.s32 $0x40, s11;
	v8 =	vmul.f32 $1.250000000e+00, v0;
	[tilespmem:s26+$0x10] =	vst v6;
	s0 =	sadd.s32 $0x40, s0;
	s8 =	simm.s32 $0xF70  }
0x91: {  	v6 =	vld [tilespmem:s0+$0x10];
	p1 =	slt.u32 s11, $0xF40;
	v1 =	vmul.f32 $1.250000000e+00, v1  }
0x92: {  	v9 =	vld [tilespmem:s12+$0xFFFFFFF0];
	vm0 =	vgt.f32 v2, $2.000000030e-01  }
.Ltmp2:
0x93: {  	v0 =	vld [tilespmem:s12+$0x0];
	v2 =	vnsel vm0, $0x0, v1;
	vm0 =	vgt.f32 v3, $2.000000030e-01;
	(pc) =	sbr.rel @p1 .LBB2_3-.Ltmp2, $4  }
0x94: {  	v1 =	vld [tilespmem:s12+$0xFFFFFFE0];
	[tilespmem:s26+$0xFFFFFFE0] =	vst v2;
	v3 =	vnsel vm0, $0x0, v4;
	vm0 =	vgt.f32 v5, $2.000000030e-01  }
0x95: {  	v2 =	vld [tilespmem:s0+$0xFFFFFFE0];
	v7 =	vmul.f32 $1.250000000e+00, v7;
	[tilespmem:s26+$0xFFFFFFF0] =	vst v3;
	v4 =	vnsel vm0, $0x0, v8  }
0x96: {  	v3 =	vld [tilespmem:s0+$0xFFFFFFF0];
	vm0 =	vgt.f32 v6, $2.000000030e-01;
	[tilespmem:s26+$0x0] =	vst v4  }
0x97: {  	s12 =	sadd.s32 $0x40, s12;
	s26 =	sadd.s32 $0x40, s26;
	v4 =	vmul.f32 $1.250000000e+00, v9;
	v5 =	vld [tilespmem:s0+$0x0];
	v6 =	vnsel vm0, $0x0, v7  }
0x98: {  	_ = 	snop  }
0x99: {  	v1 =	vmul.f32 $1.250000000e+00, v1  }
0x9a: {  	vm0 =	vgt.f32 v2, $2.000000030e-01  }
0x9b: {  	v0 =	vmul.f32 $1.250000000e+00, v0;
	[tilespmem:s26+$0x10] =	vst v6;
	v1 =	vnsel vm0, $0x0, v1;
	vm14 =	vgt.f32 v3, $2.000000030e-01  }
0x9c: {  	[tilespmem:s26+$0xFFFFFFE0] =	vst v1;
	v63 =	vnsel vm14, $0x0, v4;
	vm15 =	vgt.f32 v5, $2.000000030e-01  }
0x9d: {  	[tilespmem:s26+$0xFFFFFFF0] =	vst v63;
	v0 =	vnsel vm15, $0x0, v0  }
0x9e: {  	[tilespmem:s26+$0x0] =	vst v0  }
.LBB2_5:
0x9f: {  	v0 =	vld [tilespmem:s22+$0x0]  }
0xa0: {  	v1 =	vld [tilespmem:s21+$0x0]  }
0xa1: {  	s8 =	sadd.s32 $0x10, s8  }
0xa2: {  	p1 =	slt.u32 s8, $0xF90  }
.Ltmp3:
0xa3: {  	_ = 	snop;
	(pc) =	sbr.rel @p1 .LBB2_5-.Ltmp3, $4  }
0xa4: {  	v0 =	vmul.f32 $1.250000000e+00, v0  }
0xa5: {  	vm0 =	vgt.f32 v1, $2.000000030e-01  }
0xa6: {  	v0 =	vnsel vm0, $0x0, v0  }
0xa7: {  	s21 =	sadd.s32 $0x10, s21;
	s22 =	sadd.s32 $0x10, s22;
	[tilespmem:s24+$0x0] =	vst v0;
	s24 =	sadd.s32 $0x10, s24  }
0xa8: {  	s0 =	sshrl.u32 s20, $0x3  }
0xa9: {  	s8 =	simm.s32 $0x14000;
	s0 =	sadd.s32 s4, s0  }
0xaa: {  	[hbm4b:s0+s5] =	stream.linear.scatter [tilespmem:s8], [sflag:$0x15], $0xFA0, $0x38;
	[tilespmem:$0x1E000] =	vst v63  }
0xab: {  	s0 =	sld [smem:$0x7F4];
	_ =	sdelay $0x1  }
0xac: {  	p1 =	seq.s32 s17, $0x4  }
0xad: {  	s0 =	sadd.s32 @!p1 s19, s0  }
0xae: {  	s0 =	sshrl.u32 @!p1 s0, $0x3  }
0xaf: {  	s11 =	simm.s32 @!p1 $0x0;
	s8 =	sadd.s32 @!p1 s1, s0  }
0xb0: {  	[tilespmem:s11], [sflag:$0x1] =	stream.linear.gather @!p1 [hbm4b:s8+s11], $0xFA0, $0x38;
	[tilespmem:$0x1E000] =	vst v63  }
0xb1: {  	s21 =	simm.s32 $0x2;
	s0 =	sadd.s32 @!p1 s3, s0;
	s8 =	simm.s32 @!p1 $0xA000  }
0xb2: {  	[tilespmem:s8], [sflag:$0xB] =	stream.linear.gather @!p1 [hbm4b:s0+s11], $0xFA0, $0x38;
	[tilespmem:$0x1E000] =	vst v63  }
0xb3: {  	_ =	swait.ge [sflag:s21], $0xFA0  }
0xb4: {  	[sflag:s21] =	ssyncset.done $0x0  }
0xb5: {  	s22 =	simm.s32 $0xC;
	[sflag:s21] =	ssyncadd.s32 $0xFFFFF060  }
0xb6: {  	_ =	swait.ge [sflag:s22], $0xFA0  }
0xb7: {  	[sflag:s22] =	ssyncset.done $0x0  }
0xb8: {  	s0 =	simm.s32 @!p0 $0x16;
	[sflag:s22] =	ssyncadd.s32 $0xFFFFF060  }
0xb9: {  	_ =	swait.ge @!p0 [sflag:s0], $0xFA0  }
0xba: {  	[sflag:s0] =	ssyncset.done @!p0 $0x0  }
0xbb: {  	s24 =	simm.s32 $0x1020;
	[sflag:s0] =	ssyncadd.s32 @!p0 $0xFFFFF060  }
0xbc: {  	s0 =	simm.s32 $0xB020;
	v3 =	vld [tilespmem:s24+$0x10]  }
0xbd: {  	v4 =	vld [tilespmem:s0+$0x10]  }
0xbe: {  	v5 =	vld [tilespmem:s24+$0xFFFFFFF0]  }
0xbf: {  	v0 =	vld [tilespmem:s24+$0x0]  }
0xc0: {  	v1 =	vld [tilespmem:s24+$0xFFFFFFE0]  }
0xc1: {  	s8 =	simm.s32 $0x0;
	s11 =	simm.s32 $0x1060;
	v2 =	vld [tilespmem:s0+$0xFFFFFFE0];
	v6 =	vmul.f32 $1.250000000e+00, v3  }
0xc2: {  	s21 =	simm.s32 $0xBF80;
	s22 =	simm.s32 $0x1F80;
	s26 =	rddreg [dreg:$0x5];
	v3 =	vld [tilespmem:s0+$0xFFFFFFF0];
	vm0 =	vgt.f32 v4, $2.000000030e-01  }
0xc3: {  	s20 =	sadd.s32 s19, s26;
	s26 =	simm.s32 $0x15020;
	s24 =	simm.s32 $0x15F80;
	v4 =	vmul.f32 $1.250000000e+00, v5;
	v5 =	vld [tilespmem:s0+$0x0];
	v6 =	vnsel vm0, $0x0, v6  }
.LBB2_7:
0xc4: {  	v7 =	vld [tilespmem:s11+$0x10];
	s8 =	sadd.s32 $0x40, s8;
	v8 =	vmul.f32 $1.250000000e+00, v0;
	[tilespmem:s26+$0x10] =	vst v6;
	s0 =	sadd.s32 $0x40, s0  }
0xc5: {  	v6 =	vld [tilespmem:s0+$0x10];
	p2 =	slt.u32 s8, $0xF40;
	v1 =	vmul.f32 $1.250000000e+00, v1  }
0xc6: {  	v9 =	vld [tilespmem:s11+$0xFFFFFFF0];
	vm0 =	vgt.f32 v2, $2.000000030e-01  }
.Ltmp4:
0xc7: {  	v0 =	vld [tilespmem:s11+$0x0];
	v2 =	vnsel vm0, $0x0, v1;
	vm0 =	vgt.f32 v3, $2.000000030e-01;
	(pc) =	sbr.rel @p2 .LBB2_7-.Ltmp4, $4  }
0xc8: {  	v1 =	vld [tilespmem:s11+$0xFFFFFFE0];
	[tilespmem:s26+$0xFFFFFFE0] =	vst v2;
	v3 =	vnsel vm0, $0x0, v4;
	vm0 =	vgt.f32 v5, $2.000000030e-01  }
0xc9: {  	v2 =	vld [tilespmem:s0+$0xFFFFFFE0];
	v7 =	vmul.f32 $1.250000000e+00, v7;
	[tilespmem:s26+$0xFFFFFFF0] =	vst v3;
	v4 =	vnsel vm0, $0x0, v8  }
0xca: {  	v3 =	vld [tilespmem:s0+$0xFFFFFFF0];
	vm0 =	vgt.f32 v6, $2.000000030e-01;
	[tilespmem:s26+$0x0] =	vst v4  }
0xcb: {  	s11 =	sadd.s32 $0x40, s11;
	s26 =	sadd.s32 $0x40, s26;
	v4 =	vmul.f32 $1.250000000e+00, v9;
	v5 =	vld [tilespmem:s0+$0x0];
	v6 =	vnsel vm0, $0x0, v7  }
0xcc: {  	_ = 	snop  }
0xcd: {  	v1 =	vmul.f32 $1.250000000e+00, v1  }
0xce: {  	vm0 =	vgt.f32 v2, $2.000000030e-01  }
0xcf: {  	v0 =	vmul.f32 $1.250000000e+00, v0;
	[tilespmem:s26+$0x10] =	vst v6;
	v1 =	vnsel vm0, $0x0, v1;
	vm14 =	vgt.f32 v3, $2.000000030e-01  }
0xd0: {  	[tilespmem:s26+$0xFFFFFFE0] =	vst v1;
	v63 =	vnsel vm14, $0x0, v4;
	vm15 =	vgt.f32 v5, $2.000000030e-01  }
0xd1: {  	[tilespmem:s26+$0xFFFFFFF0] =	vst v63;
	v0 =	vnsel vm15, $0x0, v0  }
0xd2: {  	s0 =	simm.s32 $0xF70;
	[tilespmem:s26+$0x0] =	vst v0  }
.LBB2_9:
0xd3: {  	v0 =	vld [tilespmem:s22+$0x0]  }
0xd4: {  	v1 =	vld [tilespmem:s21+$0x0]  }
0xd5: {  	s0 =	sadd.s32 $0x10, s0  }
0xd6: {  	p2 =	slt.u32 s0, $0xF90  }
.Ltmp5:
0xd7: {  	_ = 	snop;
	(pc) =	sbr.rel @p2 .LBB2_9-.Ltmp5, $4  }
0xd8: {  	v0 =	vmul.f32 $1.250000000e+00, v0  }
0xd9: {  	vm0 =	vgt.f32 v1, $2.000000030e-01  }
0xda: {  	v0 =	vnsel vm0, $0x0, v0  }
0xdb: {  	s21 =	sadd.s32 $0x10, s21;
	s22 =	sadd.s32 $0x10, s22;
	[tilespmem:s24+$0x0] =	vst v0;
	s24 =	sadd.s32 $0x10, s24  }
0xdc: {  	s0 =	sshrl.u32 s20, $0x3  }
0xdd: {  	s8 =	simm.s32 $0x15000;
	s0 =	sadd.s32 s4, s0  }
0xde: {  	[hbm4b:s0+s5] =	stream.linear.scatter [tilespmem:s8], [sflag:$0x16], $0xFA0, $0x38;
	[tilespmem:$0x1E000] =	vst v63  }
0xdf: {  	s0 =	sld [smem:$0x7F5];
	_ =	sdelay $0x2  }
0xe0: {  	s0 =	sadd.s32 @!p1 s19, s0  }
0xe1: {  	s0 =	sshrl.u32 @!p1 s0, $0x3  }
0xe2: {  	s11 =	simm.s32 @!p1 $0x0;
	s12 =	simm.s32 @!p1 $0x1000;
	s8 =	sadd.s32 @!p1 s1, s0  }
0xe3: {  	[tilespmem:s12], [sflag:$0x2] =	stream.linear.gather @!p1 [hbm4b:s8+s11], $0xFA0, $0x38;
	[tilespmem:$0x1E000] =	vst v63  }
0xe4: {  	s0 =	sadd.s32 @!p1 s3, s0;
	s8 =	simm.s32 @!p1 $0xB000  }
0xe5: {  	[tilespmem:s8], [sflag:$0xC] =	stream.linear.gather @!p1 [hbm4b:s0+s11], $0xFA0, $0x38;
	[tilespmem:$0x1E000] =	vst v63  }
0xe6: {  	_ =	swait.ge [sflag:s2], $0xFA0  }
0xe7: {  	[sflag:s2] =	ssyncset.done $0x0  }
0xe8: {  	[sflag:s2] =	ssyncadd.s32 $0xFFFFF060  }
0xe9: {  	_ =	swait.ge [sflag:s10], $0xFA0  }
0xea: {  	[sflag:s10] =	ssyncset.done $0x0  }
0xeb: {  	s0 =	simm.s32 @!p0 $0x17;
	[sflag:s10] =	ssyncadd.s32 $0xFFFFF060  }
0xec: {  	_ =	swait.ge @!p0 [sflag:s0], $0xFA0  }
0xed: {  	[sflag:s0] =	ssyncset.done @!p0 $0x0  }
0xee: {  	s24 =	simm.s32 $0x2020;
	[sflag:s0] =	ssyncadd.s32 @!p0 $0xFFFFF060  }
0xef: {  	s0 =	simm.s32 $0xC020;
	v3 =	vld [tilespmem:s24+$0x10]  }
0xf0: {  	v4 =	vld [tilespmem:s0+$0x10]  }
0xf1: {  	v5 =	vld [tilespmem:s24+$0xFFFFFFF0]  }
0xf2: {  	v0 =	vld [tilespmem:s24+$0x0]  }
0xf3: {  	v1 =	vld [tilespmem:s24+$0xFFFFFFE0]  }
0xf4: {  	s21 =	simm.s32 $0xCF80;
	s22 =	simm.s32 $0x2F80;
	v2 =	vld [tilespmem:s0+$0xFFFFFFE0];
	v6 =	vmul.f32 $1.250000000e+00, v3  }
0xf5: {  	s8 =	simm.s32 $0x0;
	s11 =	simm.s32 $0x2060;
	s26 =	rddreg [dreg:$0x7];
	v3 =	vld [tilespmem:s0+$0xFFFFFFF0];
	vm0 =	vgt.f32 v4, $2.000000030e-01  }
0xf6: {  	s20 =	sadd.s32 s19, s26;
	s26 =	simm.s32 $0x16020;
	s24 =	simm.s32 $0x16F80;
	v4 =	vmul.f32 $1.250000000e+00, v5;
	v5 =	vld [tilespmem:s0+$0x0];
	v6 =	vnsel vm0, $0x0, v6  }
.LBB2_11:
0xf7: {  	v7 =	vld [tilespmem:s11+$0x10];
	s8 =	sadd.s32 $0x40, s8;
	v8 =	vmul.f32 $1.250000000e+00, v0;
	[tilespmem:s26+$0x10] =	vst v6;
	s0 =	sadd.s32 $0x40, s0  }
0xf8: {  	v6 =	vld [tilespmem:s0+$0x10];
	p2 =	slt.u32 s8, $0xF40;
	v1 =	vmul.f32 $1.250000000e+00, v1  }
0xf9: {  	v9 =	vld [tilespmem:s11+$0xFFFFFFF0];
	vm0 =	vgt.f32 v2, $2.000000030e-01  }
.Ltmp6:
0xfa: {  	v0 =	vld [tilespmem:s11+$0x0];
	v2 =	vnsel vm0, $0x0, v1;
	vm0 =	vgt.f32 v3, $2.000000030e-01;
	(pc) =	sbr.rel @p2 .LBB2_11-.Ltmp6, $4  }
0xfb: {  	v1 =	vld [tilespmem:s11+$0xFFFFFFE0];
	[tilespmem:s26+$0xFFFFFFE0] =	vst v2;
	v3 =	vnsel vm0, $0x0, v4;
	vm0 =	vgt.f32 v5, $2.000000030e-01  }
0xfc: {  	v2 =	vld [tilespmem:s0+$0xFFFFFFE0];
	v7 =	vmul.f32 $1.250000000e+00, v7;
	[tilespmem:s26+$0xFFFFFFF0] =	vst v3;
	v4 =	vnsel vm0, $0x0, v8  }
0xfd: {  	v3 =	vld [tilespmem:s0+$0xFFFFFFF0];
	vm0 =	vgt.f32 v6, $2.000000030e-01;
	[tilespmem:s26+$0x0] =	vst v4  }
0xfe: {  	s11 =	sadd.s32 $0x40, s11;
	s26 =	sadd.s32 $0x40, s26;
	v4 =	vmul.f32 $1.250000000e+00, v9;
	v5 =	vld [tilespmem:s0+$0x0];
	v6 =	vnsel vm0, $0x0, v7  }
0xff: {  	_ = 	snop  }
0x100: {  	v1 =	vmul.f32 $1.250000000e+00, v1  }
0x101: {  	vm0 =	vgt.f32 v2, $2.000000030e-01  }
0x102: {  	v0 =	vmul.f32 $1.250000000e+00, v0;
	[tilespmem:s26+$0x10] =	vst v6;
	v1 =	vnsel vm0, $0x0, v1;
	vm14 =	vgt.f32 v3, $2.000000030e-01  }
0x103: {  	[tilespmem:s26+$0xFFFFFFE0] =	vst v1;
	v63 =	vnsel vm14, $0x0, v4;
	vm15 =	vgt.f32 v5, $2.000000030e-01  }
0x104: {  	[tilespmem:s26+$0xFFFFFFF0] =	vst v63;
	v0 =	vnsel vm15, $0x0, v0  }
0x105: {  	s0 =	simm.s32 $0xF70;
	[tilespmem:s26+$0x0] =	vst v0  }
.LBB2_13:
0x106: {  	v0 =	vld [tilespmem:s22+$0x0]  }
0x107: {  	v1 =	vld [tilespmem:s21+$0x0]  }
0x108: {  	s0 =	sadd.s32 $0x10, s0  }
0x109: {  	p2 =	slt.u32 s0, $0xF90  }
.Ltmp7:
0x10a: {  	_ = 	snop;
	(pc) =	sbr.rel @p2 .LBB2_13-.Ltmp7, $4  }
0x10b: {  	v0 =	vmul.f32 $1.250000000e+00, v0  }
0x10c: {  	vm0 =	vgt.f32 v1, $2.000000030e-01  }
0x10d: {  	v0 =	vnsel vm0, $0x0, v0  }
0x10e: {  	s21 =	sadd.s32 $0x10, s21;
	s22 =	sadd.s32 $0x10, s22;
	[tilespmem:s24+$0x0] =	vst v0;
	s24 =	sadd.s32 $0x10, s24  }
0x10f: {  	s0 =	sshrl.u32 s20, $0x3  }
0x110: {  	s8 =	simm.s32 $0x16000;
	s0 =	sadd.s32 s4, s0  }
0x111: {  	[hbm4b:s0+s5] =	stream.linear.scatter [tilespmem:s8], [sflag:$0x17], $0xFA0, $0x38;
	[tilespmem:$0x1E000] =	vst v63  }
0x112: {  	s0 =	sld [smem:$0x7F6];
	_ =	sdelay $0x2  }
0x113: {  	s0 =	sadd.s32 @!p1 s19, s0  }
0x114: {  	s0 =	sshrl.u32 @!p1 s0, $0x3  }
0x115: {  	s11 =	simm.s32 @!p1 $0x0;
	s12 =	simm.s32 @!p1 $0x2000;
	s8 =	sadd.s32 @!p1 s1, s0  }
0x116: {  	[tilespmem:s12], [sflag:$0x3] =	stream.linear.gather @!p1 [hbm4b:s8+s11], $0xFA0, $0x38;
	[tilespmem:$0x1E000] =	vst v63  }
0x117: {  	s0 =	sadd.s32 @!p1 s3, s0;
	s8 =	simm.s32 @!p1 $0xC000  }
0x118: {  	[tilespmem:s8], [sflag:$0xD] =	stream.linear.gather @!p1 [hbm4b:s0+s11], $0xFA0, $0x38;
	[tilespmem:$0x1E000] =	vst v63  }
0x119: {  	_ =	swait.ge [sflag:s29], $0xFA0  }
0x11a: {  	[sflag:s29] =	ssyncset.done $0x0  }
0x11b: {  	[sflag:s29] =	ssyncadd.s32 $0xFFFFF060  }
0x11c: {  	_ =	swait.ge [sflag:s7], $0xFA0  }
0x11d: {  	[sflag:s7] =	ssyncset.done $0x0  }
0x11e: {  	s0 =	simm.s32 @!p0 $0x18;
	[sflag:s7] =	ssyncadd.s32 $0xFFFFF060  }
0x11f: {  	_ =	swait.ge @!p0 [sflag:s0], $0xFA0  }
0x120: {  	[sflag:s0] =	ssyncset.done @!p0 $0x0  }
0x121: {  	s24 =	simm.s32 $0x3020;
	[sflag:s0] =	ssyncadd.s32 @!p0 $0xFFFFF060  }
0x122: {  	s0 =	simm.s32 $0xD020;
	v3 =	vld [tilespmem:s24+$0x10]  }
0x123: {  	v4 =	vld [tilespmem:s0+$0x10]  }
0x124: {  	v5 =	vld [tilespmem:s24+$0xFFFFFFF0]  }
0x125: {  	v0 =	vld [tilespmem:s24+$0x0]  }
0x126: {  	v1 =	vld [tilespmem:s24+$0xFFFFFFE0]  }
0x127: {  	s21 =	simm.s32 $0xDF80;
	s22 =	simm.s32 $0x3F80;
	v2 =	vld [tilespmem:s0+$0xFFFFFFE0];
	v6 =	vmul.f32 $1.250000000e+00, v3  }
0x128: {  	s8 =	simm.s32 $0x0;
	s11 =	simm.s32 $0x3060;
	s26 =	rddreg [dreg:$0xc];
	v3 =	vld [tilespmem:s0+$0xFFFFFFF0];
	vm0 =	vgt.f32 v4, $2.000000030e-01  }
0x129: {  	s20 =	sadd.s32 s19, s26;
	s26 =	simm.s32 $0x17020;
	s24 =	simm.s32 $0x17F80;
	v4 =	vmul.f32 $1.250000000e+00, v5;
	v5 =	vld [tilespmem:s0+$0x0];
	v6 =	vnsel vm0, $0x0, v6  }
.LBB2_15:
0x12a: {  	v7 =	vld [tilespmem:s11+$0x10];
	s8 =	sadd.s32 $0x40, s8;
	v8 =	vmul.f32 $1.250000000e+00, v0;
	[tilespmem:s26+$0x10] =	vst v6;
	s0 =	sadd.s32 $0x40, s0  }
0x12b: {  	v6 =	vld [tilespmem:s0+$0x10];
	p2 =	slt.u32 s8, $0xF40;
	v1 =	vmul.f32 $1.250000000e+00, v1  }
0x12c: {  	v9 =	vld [tilespmem:s11+$0xFFFFFFF0];
	vm0 =	vgt.f32 v2, $2.000000030e-01  }
.Ltmp8:
0x12d: {  	v0 =	vld [tilespmem:s11+$0x0];
	v2 =	vnsel vm0, $0x0, v1;
	vm0 =	vgt.f32 v3, $2.000000030e-01;
	(pc) =	sbr.rel @p2 .LBB2_15-.Ltmp8, $4  }
0x12e: {  	v1 =	vld [tilespmem:s11+$0xFFFFFFE0];
	[tilespmem:s26+$0xFFFFFFE0] =	vst v2;
	v3 =	vnsel vm0, $0x0, v4;
	vm0 =	vgt.f32 v5, $2.000000030e-01  }
0x12f: {  	v2 =	vld [tilespmem:s0+$0xFFFFFFE0];
	v7 =	vmul.f32 $1.250000000e+00, v7;
	[tilespmem:s26+$0xFFFFFFF0] =	vst v3;
	v4 =	vnsel vm0, $0x0, v8  }
0x130: {  	v3 =	vld [tilespmem:s0+$0xFFFFFFF0];
	vm0 =	vgt.f32 v6, $2.000000030e-01;
	[tilespmem:s26+$0x0] =	vst v4  }
0x131: {  	s11 =	sadd.s32 $0x40, s11;
	s26 =	sadd.s32 $0x40, s26;
	v4 =	vmul.f32 $1.250000000e+00, v9;
	v5 =	vld [tilespmem:s0+$0x0];
	v6 =	vnsel vm0, $0x0, v7  }
0x132: {  	_ = 	snop  }
0x133: {  	v1 =	vmul.f32 $1.250000000e+00, v1  }
0x134: {  	vm0 =	vgt.f32 v2, $2.000000030e-01  }
0x135: {  	v0 =	vmul.f32 $1.250000000e+00, v0;
	[tilespmem:s26+$0x10] =	vst v6;
	v1 =	vnsel vm0, $0x0, v1;
	vm14 =	vgt.f32 v3, $2.000000030e-01  }
0x136: {  	[tilespmem:s26+$0xFFFFFFE0] =	vst v1;
	v63 =	vnsel vm14, $0x0, v4;
	vm15 =	vgt.f32 v5, $2.000000030e-01  }
0x137: {  	[tilespmem:s26+$0xFFFFFFF0] =	vst v63;
	v0 =	vnsel vm15, $0x0, v0  }
0x138: {  	s0 =	simm.s32 $0xF70;
	[tilespmem:s26+$0x0] =	vst v0  }
.LBB2_17:
0x139: {  	v0 =	vld [tilespmem:s22+$0x0]  }
0x13a: {  	v1 =	vld [tilespmem:s21+$0x0]  }
0x13b: {  	s0 =	sadd.s32 $0x10, s0  }
0x13c: {  	p2 =	slt.u32 s0, $0xF90  }
.Ltmp9:
0x13d: {  	_ = 	snop;
	(pc) =	sbr.rel @p2 .LBB2_17-.Ltmp9, $4  }
0x13e: {  	v0 =	vmul.f32 $1.250000000e+00, v0  }
0x13f: {  	vm0 =	vgt.f32 v1, $2.000000030e-01  }
0x140: {  	v0 =	vnsel vm0, $0x0, v0  }
0x141: {  	s21 =	sadd.s32 $0x10, s21;
	s22 =	sadd.s32 $0x10, s22;
	[tilespmem:s24+$0x0] =	vst v0;
	s24 =	sadd.s32 $0x10, s24  }
0x142: {  	s0 =	sshrl.u32 s20, $0x3  }
0x143: {  	s8 =	simm.s32 $0x17000;
	s0 =	sadd.s32 s4, s0  }
0x144: {  	[hbm4b:s0+s5] =	stream.linear.scatter [tilespmem:s8], [sflag:$0x18], $0xFA0, $0x38;
	[tilespmem:$0x1E000] =	vst v63  }
0x145: {  	s0 =	sld [smem:$0x7F7];
	_ =	sdelay $0x2  }
0x146: {  	s0 =	sadd.s32 @!p1 s19, s0  }
0x147: {  	s0 =	sshrl.u32 @!p1 s0, $0x3  }
0x148: {  	s11 =	simm.s32 @!p1 $0x0;
	s12 =	simm.s32 @!p1 $0x3000;
	s8 =	sadd.s32 @!p1 s1, s0  }
0x149: {  	[tilespmem:s12], [sflag:$0x4] =	stream.linear.gather @!p1 [hbm4b:s8+s11], $0xFA0, $0x38;
	[tilespmem:$0x1E000] =	vst v63  }
0x14a: {  	s0 =	sadd.s32 @!p1 s3, s0;
	s8 =	simm.s32 @!p1 $0xD000  }
0x14b: {  	[tilespmem:s8], [sflag:$0xE] =	stream.linear.gather @!p1 [hbm4b:s0+s11], $0xFA0, $0x38;
	[tilespmem:$0x1E000] =	vst v63  }
0x14c: {  	_ =	swait.ge [sflag:s9], $0xFA0  }
0x14d: {  	[sflag:s9] =	ssyncset.done $0x0  }
0x14e: {  	[sflag:s9] =	ssyncadd.s32 $0xFFFFF060  }
0x14f: {  	_ =	swait.ge [sflag:s28], $0xFA0  }
0x150: {  	[sflag:s28] =	ssyncset.done $0x0  }
0x151: {  	s0 =	simm.s32 @!p0 $0x19;
	[sflag:s28] =	ssyncadd.s32 $0xFFFFF060  }
0x152: {  	_ =	swait.ge @!p0 [sflag:s0], $0xFA0  }
0x153: {  	[sflag:s0] =	ssyncset.done @!p0 $0x0  }
0x154: {  	s24 =	simm.s32 $0x4020;
	[sflag:s0] =	ssyncadd.s32 @!p0 $0xFFFFF060  }
0x155: {  	s0 =	simm.s32 $0xE020;
	v3 =	vld [tilespmem:s24+$0x10]  }
0x156: {  	v4 =	vld [tilespmem:s0+$0x10]  }
0x157: {  	v5 =	vld [tilespmem:s24+$0xFFFFFFF0]  }
0x158: {  	v0 =	vld [tilespmem:s24+$0x0]  }
0x159: {  	v1 =	vld [tilespmem:s24+$0xFFFFFFE0]  }
0x15a: {  	s21 =	simm.s32 $0xEF80;
	s22 =	simm.s32 $0x4F80;
	v2 =	vld [tilespmem:s0+$0xFFFFFFE0];
	v6 =	vmul.f32 $1.250000000e+00, v3  }
0x15b: {  	s8 =	simm.s32 $0x0;
	s11 =	simm.s32 $0x4060;
	s26 =	rddreg [dreg:$0xe];
	v3 =	vld [tilespmem:s0+$0xFFFFFFF0];
	vm0 =	vgt.f32 v4, $2.000000030e-01  }
0x15c: {  	s20 =	sadd.s32 s19, s26;
	s26 =	simm.s32 $0x18020;
	s24 =	simm.s32 $0x18F80;
	v4 =	vmul.f32 $1.250000000e+00, v5;
	v5 =	vld [tilespmem:s0+$0x0];
	v6 =	vnsel vm0, $0x0, v6  }
.LBB2_19:
0x15d: {  	v7 =	vld [tilespmem:s11+$0x10];
	s8 =	sadd.s32 $0x40, s8;
	v8 =	vmul.f32 $1.250000000e+00, v0;
	[tilespmem:s26+$0x10] =	vst v6;
	s0 =	sadd.s32 $0x40, s0  }
0x15e: {  	v6 =	vld [tilespmem:s0+$0x10];
	p2 =	slt.u32 s8, $0xF40;
	v1 =	vmul.f32 $1.250000000e+00, v1  }
0x15f: {  	v9 =	vld [tilespmem:s11+$0xFFFFFFF0];
	vm0 =	vgt.f32 v2, $2.000000030e-01  }
.Ltmp10:
0x160: {  	v0 =	vld [tilespmem:s11+$0x0];
	v2 =	vnsel vm0, $0x0, v1;
	vm0 =	vgt.f32 v3, $2.000000030e-01;
	(pc) =	sbr.rel @p2 .LBB2_19-.Ltmp10, $4  }
0x161: {  	v1 =	vld [tilespmem:s11+$0xFFFFFFE0];
	[tilespmem:s26+$0xFFFFFFE0] =	vst v2;
	v3 =	vnsel vm0, $0x0, v4;
	vm0 =	vgt.f32 v5, $2.000000030e-01  }
0x162: {  	v2 =	vld [tilespmem:s0+$0xFFFFFFE0];
	v7 =	vmul.f32 $1.250000000e+00, v7;
	[tilespmem:s26+$0xFFFFFFF0] =	vst v3;
	v4 =	vnsel vm0, $0x0, v8  }
0x163: {  	v3 =	vld [tilespmem:s0+$0xFFFFFFF0];
	vm0 =	vgt.f32 v6, $2.000000030e-01;
	[tilespmem:s26+$0x0] =	vst v4  }
0x164: {  	s11 =	sadd.s32 $0x40, s11;
	s26 =	sadd.s32 $0x40, s26;
	v4 =	vmul.f32 $1.250000000e+00, v9;
	v5 =	vld [tilespmem:s0+$0x0];
	v6 =	vnsel vm0, $0x0, v7  }
0x165: {  	_ = 	snop  }
0x166: {  	v1 =	vmul.f32 $1.250000000e+00, v1  }
0x167: {  	vm0 =	vgt.f32 v2, $2.000000030e-01  }
0x168: {  	v0 =	vmul.f32 $1.250000000e+00, v0;
	[tilespmem:s26+$0x10] =	vst v6;
	v1 =	vnsel vm0, $0x0, v1;
	vm14 =	vgt.f32 v3, $2.000000030e-01  }
0x169: {  	[tilespmem:s26+$0xFFFFFFE0] =	vst v1;
	v63 =	vnsel vm14, $0x0, v4;
	vm15 =	vgt.f32 v5, $2.000000030e-01  }
0x16a: {  	[tilespmem:s26+$0xFFFFFFF0] =	vst v63;
	v0 =	vnsel vm15, $0x0, v0  }
0x16b: {  	s0 =	simm.s32 $0xF70;
	[tilespmem:s26+$0x0] =	vst v0  }
.LBB2_21:
0x16c: {  	v0 =	vld [tilespmem:s22+$0x0]  }
0x16d: {  	v1 =	vld [tilespmem:s21+$0x0]  }
0x16e: {  	s0 =	sadd.s32 $0x10, s0  }
0x16f: {  	p2 =	slt.u32 s0, $0xF90  }
.Ltmp11:
0x170: {  	_ = 	snop;
	(pc) =	sbr.rel @p2 .LBB2_21-.Ltmp11, $4  }
0x171: {  	v0 =	vmul.f32 $1.250000000e+00, v0  }
0x172: {  	vm0 =	vgt.f32 v1, $2.000000030e-01  }
0x173: {  	v0 =	vnsel vm0, $0x0, v0  }
0x174: {  	s21 =	sadd.s32 $0x10, s21;
	s22 =	sadd.s32 $0x10, s22;
	[tilespmem:s24+$0x0] =	vst v0;
	s24 =	sadd.s32 $0x10, s24  }
0x175: {  	s0 =	sshrl.u32 s20, $0x3  }
0x176: {  	s8 =	simm.s32 $0x18000;
	s0 =	sadd.s32 s4, s0  }
0x177: {  	[hbm4b:s0+s5] =	stream.linear.scatter [tilespmem:s8], [sflag:$0x19], $0xFA0, $0x38;
	[tilespmem:$0x1E000] =	vst v63  }
0x178: {  	s0 =	sld [smem:$0x7F8];
	_ =	sdelay $0x2  }
0x179: {  	s0 =	sadd.s32 @!p1 s19, s0  }
0x17a: {  	s0 =	sshrl.u32 @!p1 s0, $0x3  }
0x17b: {  	s11 =	simm.s32 @!p1 $0x0;
	s12 =	simm.s32 @!p1 $0x4000;
	s8 =	sadd.s32 @!p1 s1, s0  }
0x17c: {  	[tilespmem:s12], [sflag:$0x5] =	stream.linear.gather @!p1 [hbm4b:s8+s11], $0xFA0, $0x38;
	[tilespmem:$0x1E000] =	vst v63  }
0x17d: {  	s0 =	sadd.s32 @!p1 s3, s0;
	s8 =	simm.s32 @!p1 $0xE000  }
0x17e: {  	[tilespmem:s8], [sflag:$0xF] =	stream.linear.gather @!p1 [hbm4b:s0+s11], $0xFA0, $0x38;
	[tilespmem:$0x1E000] =	vst v63  }
0x17f: {  	_ =	swait.ge [sflag:s14], $0xFA0  }
0x180: {  	[sflag:s14] =	ssyncset.done $0x0  }
0x181: {  	[sflag:s14] =	ssyncadd.s32 $0xFFFFF060  }
0x182: {  	_ =	swait.ge [sflag:s16], $0xFA0  }
0x183: {  	[sflag:s16] =	ssyncset.done $0x0  }
0x184: {  	s0 =	simm.s32 @!p0 $0x1A;
	[sflag:s16] =	ssyncadd.s32 $0xFFFFF060  }
0x185: {  	_ =	swait.ge @!p0 [sflag:s0], $0xFA0  }
0x186: {  	[sflag:s0] =	ssyncset.done @!p0 $0x0  }
0x187: {  	s24 =	simm.s32 $0x5020;
	[sflag:s0] =	ssyncadd.s32 @!p0 $0xFFFFF060  }
0x188: {  	s0 =	simm.s32 $0xF020;
	v3 =	vld [tilespmem:s24+$0x10]  }
0x189: {  	v4 =	vld [tilespmem:s0+$0x10]  }
0x18a: {  	v5 =	vld [tilespmem:s24+$0xFFFFFFF0]  }
0x18b: {  	v0 =	vld [tilespmem:s24+$0x0]  }
0x18c: {  	v1 =	vld [tilespmem:s24+$0xFFFFFFE0]  }
0x18d: {  	s21 =	simm.s32 $0xFF80;
	s22 =	simm.s32 $0x5F80;
	v2 =	vld [tilespmem:s0+$0xFFFFFFE0];
	v6 =	vmul.f32 $1.250000000e+00, v3  }
0x18e: {  	s8 =	simm.s32 $0x0;
	s11 =	simm.s32 $0x5060;
	s26 =	rddreg [dreg:$0x10];
	v3 =	vld [tilespmem:s0+$0xFFFFFFF0];
	vm0 =	vgt.f32 v4, $2.000000030e-01  }
0x18f: {  	s20 =	sadd.s32 s19, s26;
	s26 =	simm.s32 $0x19020;
	s24 =	simm.s32 $0x19F80;
	v4 =	vmul.f32 $1.250000000e+00, v5;
	v5 =	vld [tilespmem:s0+$0x0];
	v6 =	vnsel vm0, $0x0, v6  }
.LBB2_23:
0x190: {  	v7 =	vld [tilespmem:s11+$0x10];
	s8 =	sadd.s32 $0x40, s8;
	v8 =	vmul.f32 $1.250000000e+00, v0;
	[tilespmem:s26+$0x10] =	vst v6;
	s0 =	sadd.s32 $0x40, s0  }
0x191: {  	v6 =	vld [tilespmem:s0+$0x10];
	p2 =	slt.u32 s8, $0xF40;
	v1 =	vmul.f32 $1.250000000e+00, v1  }
0x192: {  	v9 =	vld [tilespmem:s11+$0xFFFFFFF0];
	vm0 =	vgt.f32 v2, $2.000000030e-01  }
.Ltmp12:
0x193: {  	v0 =	vld [tilespmem:s11+$0x0];
	v2 =	vnsel vm0, $0x0, v1;
	vm0 =	vgt.f32 v3, $2.000000030e-01;
	(pc) =	sbr.rel @p2 .LBB2_23-.Ltmp12, $4  }
0x194: {  	v1 =	vld [tilespmem:s11+$0xFFFFFFE0];
	[tilespmem:s26+$0xFFFFFFE0] =	vst v2;
	v3 =	vnsel vm0, $0x0, v4;
	vm0 =	vgt.f32 v5, $2.000000030e-01  }
0x195: {  	v2 =	vld [tilespmem:s0+$0xFFFFFFE0];
	v7 =	vmul.f32 $1.250000000e+00, v7;
	[tilespmem:s26+$0xFFFFFFF0] =	vst v3;
	v4 =	vnsel vm0, $0x0, v8  }
0x196: {  	v3 =	vld [tilespmem:s0+$0xFFFFFFF0];
	vm0 =	vgt.f32 v6, $2.000000030e-01;
	[tilespmem:s26+$0x0] =	vst v4  }
0x197: {  	s11 =	sadd.s32 $0x40, s11;
	s26 =	sadd.s32 $0x40, s26;
	v4 =	vmul.f32 $1.250000000e+00, v9;
	v5 =	vld [tilespmem:s0+$0x0];
	v6 =	vnsel vm0, $0x0, v7  }
0x198: {  	_ = 	snop  }
0x199: {  	v1 =	vmul.f32 $1.250000000e+00, v1  }
0x19a: {  	vm0 =	vgt.f32 v2, $2.000000030e-01  }
0x19b: {  	v0 =	vmul.f32 $1.250000000e+00, v0;
	[tilespmem:s26+$0x10] =	vst v6;
	v1 =	vnsel vm0, $0x0, v1;
	vm14 =	vgt.f32 v3, $2.000000030e-01  }
0x19c: {  	[tilespmem:s26+$0xFFFFFFE0] =	vst v1;
	v63 =	vnsel vm14, $0x0, v4;
	vm15 =	vgt.f32 v5, $2.000000030e-01  }
0x19d: {  	[tilespmem:s26+$0xFFFFFFF0] =	vst v63;
	v0 =	vnsel vm15, $0x0, v0  }
0x19e: {  	s0 =	simm.s32 $0xF70;
	[tilespmem:s26+$0x0] =	vst v0  }
.LBB2_25:
0x19f: {  	v0 =	vld [tilespmem:s22+$0x0]  }
0x1a0: {  	v1 =	vld [tilespmem:s21+$0x0]  }
0x1a1: {  	s0 =	sadd.s32 $0x10, s0  }
0x1a2: {  	p2 =	slt.u32 s0, $0xF90  }
.Ltmp13:
0x1a3: {  	_ = 	snop;
	(pc) =	sbr.rel @p2 .LBB2_25-.Ltmp13, $4  }
0x1a4: {  	v0 =	vmul.f32 $1.250000000e+00, v0  }
0x1a5: {  	vm0 =	vgt.f32 v1, $2.000000030e-01  }
0x1a6: {  	v0 =	vnsel vm0, $0x0, v0  }
0x1a7: {  	s21 =	sadd.s32 $0x10, s21;
	s22 =	sadd.s32 $0x10, s22;
	[tilespmem:s24+$0x0] =	vst v0;
	s24 =	sadd.s32 $0x10, s24  }
0x1a8: {  	s0 =	sshrl.u32 s20, $0x3  }
0x1a9: {  	s8 =	simm.s32 $0x19000;
	s0 =	sadd.s32 s4, s0  }
0x1aa: {  	[hbm4b:s0+s5] =	stream.linear.scatter [tilespmem:s8], [sflag:$0x1A], $0xFA0, $0x38;
	[tilespmem:$0x1E000] =	vst v63  }
0x1ab: {  	s0 =	sld [smem:$0x7F9];
	_ =	sdelay $0x2  }
0x1ac: {  	s0 =	sadd.s32 @!p1 s19, s0  }
0x1ad: {  	s0 =	sshrl.u32 @!p1 s0, $0x3  }
0x1ae: {  	s11 =	simm.s32 @!p1 $0x0;
	s12 =	simm.s32 @!p1 $0x5000;
	s8 =	sadd.s32 @!p1 s1, s0  }
0x1af: {  	[tilespmem:s12], [sflag:$0x6] =	stream.linear.gather @!p1 [hbm4b:s8+s11], $0xFA0, $0x38;
	[tilespmem:$0x1E000] =	vst v63  }
0x1b0: {  	s0 =	sadd.s32 @!p1 s3, s0;
	s8 =	simm.s32 @!p1 $0xF000  }
0x1b1: {  	[tilespmem:s8], [sflag:$0x10] =	stream.linear.gather @!p1 [hbm4b:s0+s11], $0xFA0, $0x38;
	[tilespmem:$0x1E000] =	vst v63  }
0x1b2: {  	_ =	swait.ge [sflag:s18], $0xFA0  }
0x1b3: {  	[sflag:s18] =	ssyncset.done $0x0  }
0x1b4: {  	[sflag:s18] =	ssyncadd.s32 $0xFFFFF060  }
0x1b5: {  	_ =	swait.ge [sflag:s6], $0xFA0  }
0x1b6: {  	[sflag:s6] =	ssyncset.done $0x0  }
0x1b7: {  	s0 =	simm.s32 @!p0 $0x1B;
	[sflag:s6] =	ssyncadd.s32 $0xFFFFF060  }
0x1b8: {  	_ =	swait.ge @!p0 [sflag:s0], $0xFA0  }
0x1b9: {  	[sflag:s0] =	ssyncset.done @!p0 $0x0  }
0x1ba: {  	s24 =	simm.s32 $0x6020;
	[sflag:s0] =	ssyncadd.s32 @!p0 $0xFFFFF060  }
0x1bb: {  	s0 =	simm.s32 $0x10020;
	v3 =	vld [tilespmem:s24+$0x10]  }
0x1bc: {  	v4 =	vld [tilespmem:s0+$0x10]  }
0x1bd: {  	v5 =	vld [tilespmem:s24+$0xFFFFFFF0]  }
0x1be: {  	v0 =	vld [tilespmem:s24+$0x0]  }
0x1bf: {  	v1 =	vld [tilespmem:s24+$0xFFFFFFE0]  }
0x1c0: {  	s21 =	simm.s32 $0x10F80;
	s22 =	simm.s32 $0x6F80;
	v2 =	vld [tilespmem:s0+$0xFFFFFFE0];
	v6 =	vmul.f32 $1.250000000e+00, v3  }
0x1c1: {  	s8 =	simm.s32 $0x0;
	s11 =	simm.s32 $0x6060;
	s26 =	rddreg [dreg:$0x15];
	v3 =	vld [tilespmem:s0+$0xFFFFFFF0];
	vm0 =	vgt.f32 v4, $2.000000030e-01  }
0x1c2: {  	s20 =	sadd.s32 s19, s26;
	s26 =	simm.s32 $0x1A020;
	s24 =	simm.s32 $0x1AF80;
	v4 =	vmul.f32 $1.250000000e+00, v5;
	v5 =	vld [tilespmem:s0+$0x0];
	v6 =	vnsel vm0, $0x0, v6  }
.LBB2_27:
0x1c3: {  	v7 =	vld [tilespmem:s11+$0x10];
	s8 =	sadd.s32 $0x40, s8;
	v8 =	vmul.f32 $1.250000000e+00, v0;
	[tilespmem:s26+$0x10] =	vst v6;
	s0 =	sadd.s32 $0x40, s0  }
0x1c4: {  	v6 =	vld [tilespmem:s0+$0x10];
	p2 =	slt.u32 s8, $0xF40;
	v1 =	vmul.f32 $1.250000000e+00, v1  }
0x1c5: {  	v9 =	vld [tilespmem:s11+$0xFFFFFFF0];
	vm0 =	vgt.f32 v2, $2.000000030e-01  }
.Ltmp14:
0x1c6: {  	v0 =	vld [tilespmem:s11+$0x0];
	v2 =	vnsel vm0, $0x0, v1;
	vm0 =	vgt.f32 v3, $2.000000030e-01;
	(pc) =	sbr.rel @p2 .LBB2_27-.Ltmp14, $4  }
0x1c7: {  	v1 =	vld [tilespmem:s11+$0xFFFFFFE0];
	[tilespmem:s26+$0xFFFFFFE0] =	vst v2;
	v3 =	vnsel vm0, $0x0, v4;
	vm0 =	vgt.f32 v5, $2.000000030e-01  }
0x1c8: {  	v2 =	vld [tilespmem:s0+$0xFFFFFFE0];
	v7 =	vmul.f32 $1.250000000e+00, v7;
	[tilespmem:s26+$0xFFFFFFF0] =	vst v3;
	v4 =	vnsel vm0, $0x0, v8  }
0x1c9: {  	v3 =	vld [tilespmem:s0+$0xFFFFFFF0];
	vm0 =	vgt.f32 v6, $2.000000030e-01;
	[tilespmem:s26+$0x0] =	vst v4  }
0x1ca: {  	s11 =	sadd.s32 $0x40, s11;
	s26 =	sadd.s32 $0x40, s26;
	v4 =	vmul.f32 $1.250000000e+00, v9;
	v5 =	vld [tilespmem:s0+$0x0];
	v6 =	vnsel vm0, $0x0, v7  }
0x1cb: {  	_ = 	snop  }
0x1cc: {  	v1 =	vmul.f32 $1.250000000e+00, v1  }
0x1cd: {  	vm0 =	vgt.f32 v2, $2.000000030e-01  }
0x1ce: {  	v0 =	vmul.f32 $1.250000000e+00, v0;
	[tilespmem:s26+$0x10] =	vst v6;
	v1 =	vnsel vm0, $0x0, v1;
	vm14 =	vgt.f32 v3, $2.000000030e-01  }
0x1cf: {  	[tilespmem:s26+$0xFFFFFFE0] =	vst v1;
	v63 =	vnsel vm14, $0x0, v4;
	vm15 =	vgt.f32 v5, $2.000000030e-01  }
0x1d0: {  	[tilespmem:s26+$0xFFFFFFF0] =	vst v63;
	v0 =	vnsel vm15, $0x0, v0  }
0x1d1: {  	s0 =	simm.s32 $0xF70;
	[tilespmem:s26+$0x0] =	vst v0  }
.LBB2_29:
0x1d2: {  	v0 =	vld [tilespmem:s22+$0x0]  }
0x1d3: {  	v1 =	vld [tilespmem:s21+$0x0]  }
0x1d4: {  	s0 =	sadd.s32 $0x10, s0  }
0x1d5: {  	p2 =	slt.u32 s0, $0xF90  }
.Ltmp15:
0x1d6: {  	_ = 	snop;
	(pc) =	sbr.rel @p2 .LBB2_29-.Ltmp15, $4  }
0x1d7: {  	v0 =	vmul.f32 $1.250000000e+00, v0  }
0x1d8: {  	vm0 =	vgt.f32 v1, $2.000000030e-01  }
0x1d9: {  	v0 =	vnsel vm0, $0x0, v0  }
0x1da: {  	s21 =	sadd.s32 $0x10, s21;
	s22 =	sadd.s32 $0x10, s22;
	[tilespmem:s24+$0x0] =	vst v0;
	s24 =	sadd.s32 $0x10, s24  }
0x1db: {  	s0 =	sshrl.u32 s20, $0x3  }
0x1dc: {  	s8 =	simm.s32 $0x1A000;
	s0 =	sadd.s32 s4, s0  }
0x1dd: {  	[hbm4b:s0+s5] =	stream.linear.scatter [tilespmem:s8], [sflag:$0x1B], $0xFA0, $0x38;
	[tilespmem:$0x1E000] =	vst v63  }
0x1de: {  	s0 =	sld [smem:$0x7FA];
	_ =	sdelay $0x2  }
0x1df: {  	s0 =	sadd.s32 @!p1 s19, s0  }
0x1e0: {  	s0 =	sshrl.u32 @!p1 s0, $0x3  }
0x1e1: {  	s11 =	simm.s32 @!p1 $0x0;
	s12 =	simm.s32 @!p1 $0x6000;
	s8 =	sadd.s32 @!p1 s1, s0  }
0x1e2: {  	[tilespmem:s12], [sflag:$0x7] =	stream.linear.gather @!p1 [hbm4b:s8+s11], $0xFA0, $0x38;
	[tilespmem:$0x1E000] =	vst v63  }
0x1e3: {  	s0 =	sadd.s32 @!p1 s3, s0;
	s8 =	simm.s32 @!p1 $0x10000  }
0x1e4: {  	[tilespmem:s8], [sflag:$0x11] =	stream.linear.gather @!p1 [hbm4b:s0+s11], $0xFA0, $0x38;
	[tilespmem:$0x1E000] =	vst v63  }
0x1e5: {  	_ =	swait.ge [sflag:s23], $0xFA0  }
0x1e6: {  	[sflag:s23] =	ssyncset.done $0x0  }
0x1e7: {  	[sflag:s23] =	ssyncadd.s32 $0xFFFFF060  }
0x1e8: {  	_ =	swait.ge [sflag:s25], $0xFA0  }
0x1e9: {  	[sflag:s25] =	ssyncset.done $0x0  }
0x1ea: {  	s0 =	simm.s32 @!p0 $0x1C;
	[sflag:s25] =	ssyncadd.s32 $0xFFFFF060  }
0x1eb: {  	_ =	swait.ge @!p0 [sflag:s0], $0xFA0  }
0x1ec: {  	[sflag:s0] =	ssyncset.done @!p0 $0x0  }
0x1ed: {  	s24 =	simm.s32 $0x7020;
	[sflag:s0] =	ssyncadd.s32 @!p0 $0xFFFFF060  }
0x1ee: {  	s0 =	simm.s32 $0x11020;
	v3 =	vld [tilespmem:s24+$0x10]  }
0x1ef: {  	v4 =	vld [tilespmem:s0+$0x10]  }
0x1f0: {  	v5 =	vld [tilespmem:s24+$0xFFFFFFF0]  }
0x1f1: {  	v0 =	vld [tilespmem:s24+$0x0]  }
0x1f2: {  	v1 =	vld [tilespmem:s24+$0xFFFFFFE0]  }
0x1f3: {  	s21 =	simm.s32 $0x11F80;
	s22 =	simm.s32 $0x7F80;
	v2 =	vld [tilespmem:s0+$0xFFFFFFE0];
	v6 =	vmul.f32 $1.250000000e+00, v3  }
0x1f4: {  	s8 =	simm.s32 $0x0;
	s11 =	simm.s32 $0x7060;
	s26 =	rddreg [dreg:$0x17];
	v3 =	vld [tilespmem:s0+$0xFFFFFFF0];
	vm0 =	vgt.f32 v4, $2.000000030e-01  }
0x1f5: {  	s20 =	sadd.s32 s19, s26;
	s26 =	simm.s32 $0x1B020;
	s24 =	simm.s32 $0x1BF80;
	v4 =	vmul.f32 $1.250000000e+00, v5;
	v5 =	vld [tilespmem:s0+$0x0];
	v6 =	vnsel vm0, $0x0, v6  }
.LBB2_31:
0x1f6: {  	v7 =	vld [tilespmem:s11+$0x10];
	s8 =	sadd.s32 $0x40, s8;
	v8 =	vmul.f32 $1.250000000e+00, v0;
	[tilespmem:s26+$0x10] =	vst v6;
	s0 =	sadd.s32 $0x40, s0  }
0x1f7: {  	v6 =	vld [tilespmem:s0+$0x10];
	p2 =	slt.u32 s8, $0xF40;
	v1 =	vmul.f32 $1.250000000e+00, v1  }
0x1f8: {  	v9 =	vld [tilespmem:s11+$0xFFFFFFF0];
	vm0 =	vgt.f32 v2, $2.000000030e-01  }
.Ltmp16:
0x1f9: {  	v0 =	vld [tilespmem:s11+$0x0];
	v2 =	vnsel vm0, $0x0, v1;
	vm0 =	vgt.f32 v3, $2.000000030e-01;
	(pc) =	sbr.rel @p2 .LBB2_31-.Ltmp16, $4  }
0x1fa: {  	v1 =	vld [tilespmem:s11+$0xFFFFFFE0];
	[tilespmem:s26+$0xFFFFFFE0] =	vst v2;
	v3 =	vnsel vm0, $0x0, v4;
	vm0 =	vgt.f32 v5, $2.000000030e-01  }
0x1fb: {  	v2 =	vld [tilespmem:s0+$0xFFFFFFE0];
	v7 =	vmul.f32 $1.250000000e+00, v7;
	[tilespmem:s26+$0xFFFFFFF0] =	vst v3;
	v4 =	vnsel vm0, $0x0, v8  }
0x1fc: {  	v3 =	vld [tilespmem:s0+$0xFFFFFFF0];
	vm0 =	vgt.f32 v6, $2.000000030e-01;
	[tilespmem:s26+$0x0] =	vst v4  }
0x1fd: {  	s11 =	sadd.s32 $0x40, s11;
	s26 =	sadd.s32 $0x40, s26;
	v4 =	vmul.f32 $1.250000000e+00, v9;
	v5 =	vld [tilespmem:s0+$0x0];
	v6 =	vnsel vm0, $0x0, v7  }
0x1fe: {  	_ = 	snop  }
0x1ff: {  	v1 =	vmul.f32 $1.250000000e+00, v1  }
0x200: {  	vm0 =	vgt.f32 v2, $2.000000030e-01  }
0x201: {  	v0 =	vmul.f32 $1.250000000e+00, v0;
	[tilespmem:s26+$0x10] =	vst v6;
	v1 =	vnsel vm0, $0x0, v1;
	vm14 =	vgt.f32 v3, $2.000000030e-01  }
0x202: {  	[tilespmem:s26+$0xFFFFFFE0] =	vst v1;
	v63 =	vnsel vm14, $0x0, v4;
	vm15 =	vgt.f32 v5, $2.000000030e-01  }
0x203: {  	[tilespmem:s26+$0xFFFFFFF0] =	vst v63;
	v0 =	vnsel vm15, $0x0, v0  }
0x204: {  	s0 =	simm.s32 $0xF70;
	[tilespmem:s26+$0x0] =	vst v0  }
.LBB2_33:
0x205: {  	v0 =	vld [tilespmem:s22+$0x0]  }
0x206: {  	v1 =	vld [tilespmem:s21+$0x0]  }
0x207: {  	s0 =	sadd.s32 $0x10, s0  }
0x208: {  	p2 =	slt.u32 s0, $0xF90  }
.Ltmp17:
0x209: {  	_ = 	snop;
	(pc) =	sbr.rel @p2 .LBB2_33-.Ltmp17, $4  }
0x20a: {  	v0 =	vmul.f32 $1.250000000e+00, v0  }
0x20b: {  	vm0 =	vgt.f32 v1, $2.000000030e-01  }
0x20c: {  	v0 =	vnsel vm0, $0x0, v0  }
0x20d: {  	s21 =	sadd.s32 $0x10, s21;
	s22 =	sadd.s32 $0x10, s22;
	[tilespmem:s24+$0x0] =	vst v0;
	s24 =	sadd.s32 $0x10, s24  }
0x20e: {  	s0 =	sshrl.u32 s20, $0x3  }
0x20f: {  	s8 =	simm.s32 $0x1B000;
	s0 =	sadd.s32 s4, s0  }
0x210: {  	[hbm4b:s0+s5] =	stream.linear.scatter [tilespmem:s8], [sflag:$0x1C], $0xFA0, $0x38;
	[tilespmem:$0x1E000] =	vst v63  }
0x211: {  	s0 =	sld [smem:$0x7FB];
	_ =	sdelay $0x2  }
0x212: {  	s0 =	sadd.s32 @!p1 s19, s0  }
0x213: {  	s0 =	sshrl.u32 @!p1 s0, $0x3  }
0x214: {  	s11 =	simm.s32 @!p1 $0x0;
	s12 =	simm.s32 @!p1 $0x7000;
	s8 =	sadd.s32 @!p1 s1, s0  }
0x215: {  	[tilespmem:s12], [sflag:$0x8] =	stream.linear.gather @!p1 [hbm4b:s8+s11], $0xFA0, $0x38;
	[tilespmem:$0x1E000] =	vst v63  }
0x216: {  	s0 =	sadd.s32 @!p1 s3, s0;
	s8 =	simm.s32 @!p1 $0x11000  }
0x217: {  	[tilespmem:s8], [sflag:$0x12] =	stream.linear.gather @!p1 [hbm4b:s0+s11], $0xFA0, $0x38;
	[tilespmem:$0x1E000] =	vst v63  }
0x218: {  	_ =	swait.ge [sflag:s30], $0xFA0  }
0x219: {  	[sflag:s30] =	ssyncset.done $0x0  }
0x21a: {  	[sflag:s30] =	ssyncadd.s32 $0xFFFFF060  }
0x21b: {  	_ =	swait.ge [sflag:s31], $0xFA0  }
0x21c: {  	[sflag:s31] =	ssyncset.done $0x0  }
0x21d: {  	s0 =	simm.s32 @!p0 $0x1D;
	[sflag:s31] =	ssyncadd.s32 $0xFFFFF060  }
0x21e: {  	_ =	swait.ge @!p0 [sflag:s0], $0xFA0  }
0x21f: {  	[sflag:s0] =	ssyncset.done @!p0 $0x0  }
0x220: {  	s24 =	simm.s32 $0x8020;
	[sflag:s0] =	ssyncadd.s32 @!p0 $0xFFFFF060  }
0x221: {  	s0 =	simm.s32 $0x12020;
	v3 =	vld [tilespmem:s24+$0x10]  }
0x222: {  	v4 =	vld [tilespmem:s0+$0x10]  }
0x223: {  	v5 =	vld [tilespmem:s24+$0xFFFFFFF0]  }
0x224: {  	v0 =	vld [tilespmem:s24+$0x0]  }
0x225: {  	v1 =	vld [tilespmem:s24+$0xFFFFFFE0]  }
0x226: {  	s21 =	simm.s32 $0x12F80;
	s22 =	simm.s32 $0x8F80;
	v2 =	vld [tilespmem:s0+$0xFFFFFFE0];
	v6 =	vmul.f32 $1.250000000e+00, v3  }
0x227: {  	s8 =	simm.s32 $0x0;
	s11 =	simm.s32 $0x8060;
	s26 =	rddreg [dreg:$0x1b];
	v3 =	vld [tilespmem:s0+$0xFFFFFFF0];
	vm0 =	vgt.f32 v4, $2.000000030e-01  }
0x228: {  	s20 =	sadd.s32 s19, s26;
	s26 =	simm.s32 $0x1C020;
	s24 =	simm.s32 $0x1CF80;
	v4 =	vmul.f32 $1.250000000e+00, v5;
	v5 =	vld [tilespmem:s0+$0x0];
	v6 =	vnsel vm0, $0x0, v6  }
.LBB2_35:
0x229: {  	v7 =	vld [tilespmem:s11+$0x10];
	s8 =	sadd.s32 $0x40, s8;
	v8 =	vmul.f32 $1.250000000e+00, v0;
	[tilespmem:s26+$0x10] =	vst v6;
	s0 =	sadd.s32 $0x40, s0  }
0x22a: {  	v6 =	vld [tilespmem:s0+$0x10];
	p2 =	slt.u32 s8, $0xF40;
	v1 =	vmul.f32 $1.250000000e+00, v1  }
0x22b: {  	v9 =	vld [tilespmem:s11+$0xFFFFFFF0];
	vm0 =	vgt.f32 v2, $2.000000030e-01  }
.Ltmp18:
0x22c: {  	v0 =	vld [tilespmem:s11+$0x0];
	v2 =	vnsel vm0, $0x0, v1;
	vm0 =	vgt.f32 v3, $2.000000030e-01;
	(pc) =	sbr.rel @p2 .LBB2_35-.Ltmp18, $4  }
0x22d: {  	v1 =	vld [tilespmem:s11+$0xFFFFFFE0];
	[tilespmem:s26+$0xFFFFFFE0] =	vst v2;
	v3 =	vnsel vm0, $0x0, v4;
	vm0 =	vgt.f32 v5, $2.000000030e-01  }
0x22e: {  	v2 =	vld [tilespmem:s0+$0xFFFFFFE0];
	v7 =	vmul.f32 $1.250000000e+00, v7;
	[tilespmem:s26+$0xFFFFFFF0] =	vst v3;
	v4 =	vnsel vm0, $0x0, v8  }
0x22f: {  	v3 =	vld [tilespmem:s0+$0xFFFFFFF0];
	vm0 =	vgt.f32 v6, $2.000000030e-01;
	[tilespmem:s26+$0x0] =	vst v4  }
0x230: {  	s11 =	sadd.s32 $0x40, s11;
	s26 =	sadd.s32 $0x40, s26;
	v4 =	vmul.f32 $1.250000000e+00, v9;
	v5 =	vld [tilespmem:s0+$0x0];
	v6 =	vnsel vm0, $0x0, v7  }
0x231: {  	_ = 	snop  }
0x232: {  	v1 =	vmul.f32 $1.250000000e+00, v1  }
0x233: {  	vm0 =	vgt.f32 v2, $2.000000030e-01  }
0x234: {  	v0 =	vmul.f32 $1.250000000e+00, v0;
	[tilespmem:s26+$0x10] =	vst v6;
	v1 =	vnsel vm0, $0x0, v1;
	vm14 =	vgt.f32 v3, $2.000000030e-01  }
0x235: {  	[tilespmem:s26+$0xFFFFFFE0] =	vst v1;
	v63 =	vnsel vm14, $0x0, v4;
	vm15 =	vgt.f32 v5, $2.000000030e-01  }
0x236: {  	[tilespmem:s26+$0xFFFFFFF0] =	vst v63;
	v0 =	vnsel vm15, $0x0, v0  }
0x237: {  	s0 =	simm.s32 $0xF70;
	[tilespmem:s26+$0x0] =	vst v0  }
.LBB2_37:
0x238: {  	v0 =	vld [tilespmem:s22+$0x0]  }
0x239: {  	v1 =	vld [tilespmem:s21+$0x0]  }
0x23a: {  	s0 =	sadd.s32 $0x10, s0  }
0x23b: {  	p2 =	slt.u32 s0, $0xF90  }
.Ltmp19:
0x23c: {  	_ = 	snop;
	(pc) =	sbr.rel @p2 .LBB2_37-.Ltmp19, $4  }
0x23d: {  	v0 =	vmul.f32 $1.250000000e+00, v0  }
0x23e: {  	vm0 =	vgt.f32 v1, $2.000000030e-01  }
0x23f: {  	v0 =	vnsel vm0, $0x0, v0  }
0x240: {  	s21 =	sadd.s32 $0x10, s21;
	s22 =	sadd.s32 $0x10, s22;
	[tilespmem:s24+$0x0] =	vst v0;
	s24 =	sadd.s32 $0x10, s24  }
0x241: {  	s0 =	sshrl.u32 s20, $0x3  }
0x242: {  	s8 =	simm.s32 $0x1C000;
	s0 =	sadd.s32 s4, s0  }
0x243: {  	[hbm4b:s0+s5] =	stream.linear.scatter [tilespmem:s8], [sflag:$0x1D], $0xFA0, $0x38;
	[tilespmem:$0x1E000] =	vst v63  }
0x244: {  	s0 =	sld [smem:$0x7FC];
	_ =	sdelay $0x2  }
0x245: {  	s0 =	sadd.s32 @!p1 s19, s0  }
0x246: {  	s0 =	sshrl.u32 @!p1 s0, $0x3  }
0x247: {  	s11 =	simm.s32 @!p1 $0x0;
	s12 =	simm.s32 @!p1 $0x8000;
	s8 =	sadd.s32 @!p1 s1, s0  }
0x248: {  	[tilespmem:s12], [sflag:$0x9] =	stream.linear.gather @!p1 [hbm4b:s8+s11], $0xFA0, $0x38;
	[tilespmem:$0x1E000] =	vst v63  }
0x249: {  	s0 =	sadd.s32 @!p1 s3, s0;
	s8 =	simm.s32 @!p1 $0x12000  }
0x24a: {  	[tilespmem:s8], [sflag:$0x13] =	stream.linear.gather @!p1 [hbm4b:s0+s11], $0xFA0, $0x38;
	[tilespmem:$0x1E000] =	vst v63  }
0x24b: {  	_ =	swait.ge [sflag:s13], $0xFA0  }
0x24c: {  	[sflag:s13] =	ssyncset.done $0x0  }
0x24d: {  	[sflag:s13] =	ssyncadd.s32 $0xFFFFF060  }
0x24e: {  	_ =	swait.ge [sflag:s15], $0xFA0  }
0x24f: {  	[sflag:s15] =	ssyncset.done $0x0  }
0x250: {  	s0 =	simm.s32 @!p0 $0x1E;
	[sflag:s15] =	ssyncadd.s32 $0xFFFFF060  }
0x251: {  	_ =	swait.ge @!p0 [sflag:s0], $0xFA0  }
0x252: {  	[sflag:s0] =	ssyncset.done @!p0 $0x0  }
0x253: {  	s24 =	simm.s32 $0x9020;
	[sflag:s0] =	ssyncadd.s32 @!p0 $0xFFFFF060  }
0x254: {  	s0 =	simm.s32 $0x13020;
	v3 =	vld [tilespmem:s24+$0x10]  }
0x255: {  	v4 =	vld [tilespmem:s0+$0x10]  }
0x256: {  	v5 =	vld [tilespmem:s24+$0xFFFFFFF0]  }
0x257: {  	v0 =	vld [tilespmem:s24+$0x0]  }
0x258: {  	v1 =	vld [tilespmem:s24+$0xFFFFFFE0]  }
0x259: {  	s21 =	simm.s32 $0x13F80;
	s22 =	simm.s32 $0x9F80;
	v2 =	vld [tilespmem:s0+$0xFFFFFFE0];
	v6 =	vmul.f32 $1.250000000e+00, v3  }
0x25a: {  	s8 =	simm.s32 $0x0;
	s11 =	simm.s32 $0x9060;
	s26 =	rddreg [dreg:$0x1c];
	v3 =	vld [tilespmem:s0+$0xFFFFFFF0];
	vm0 =	vgt.f32 v4, $2.000000030e-01  }
0x25b: {  	s20 =	sadd.s32 s19, s26;
	s26 =	simm.s32 $0x1D020;
	s24 =	simm.s32 $0x1DF80;
	v4 =	vmul.f32 $1.250000000e+00, v5;
	v5 =	vld [tilespmem:s0+$0x0];
	v6 =	vnsel vm0, $0x0, v6  }
.LBB2_39:
0x25c: {  	v7 =	vld [tilespmem:s11+$0x10];
	s8 =	sadd.s32 $0x40, s8;
	v8 =	vmul.f32 $1.250000000e+00, v0;
	[tilespmem:s26+$0x10] =	vst v6;
	s0 =	sadd.s32 $0x40, s0  }
0x25d: {  	v6 =	vld [tilespmem:s0+$0x10];
	p0 =	slt.u32 s8, $0xF40;
	v1 =	vmul.f32 $1.250000000e+00, v1  }
0x25e: {  	v9 =	vld [tilespmem:s11+$0xFFFFFFF0];
	vm0 =	vgt.f32 v2, $2.000000030e-01  }
.Ltmp20:
0x25f: {  	v0 =	vld [tilespmem:s11+$0x0];
	v2 =	vnsel vm0, $0x0, v1;
	vm0 =	vgt.f32 v3, $2.000000030e-01;
	(pc) =	sbr.rel @p0 .LBB2_39-.Ltmp20, $4  }
0x260: {  	v1 =	vld [tilespmem:s11+$0xFFFFFFE0];
	[tilespmem:s26+$0xFFFFFFE0] =	vst v2;
	v3 =	vnsel vm0, $0x0, v4;
	vm0 =	vgt.f32 v5, $2.000000030e-01  }
0x261: {  	v2 =	vld [tilespmem:s0+$0xFFFFFFE0];
	v7 =	vmul.f32 $1.250000000e+00, v7;
	[tilespmem:s26+$0xFFFFFFF0] =	vst v3;
	v4 =	vnsel vm0, $0x0, v8  }
0x262: {  	v3 =	vld [tilespmem:s0+$0xFFFFFFF0];
	vm0 =	vgt.f32 v6, $2.000000030e-01;
	[tilespmem:s26+$0x0] =	vst v4  }
0x263: {  	s11 =	sadd.s32 $0x40, s11;
	s26 =	sadd.s32 $0x40, s26;
	v4 =	vmul.f32 $1.250000000e+00, v9;
	v5 =	vld [tilespmem:s0+$0x0];
	v6 =	vnsel vm0, $0x0, v7  }
0x264: {  	_ = 	snop  }
0x265: {  	v1 =	vmul.f32 $1.250000000e+00, v1  }
0x266: {  	vm0 =	vgt.f32 v2, $2.000000030e-01  }
0x267: {  	v0 =	vmul.f32 $1.250000000e+00, v0;
	[tilespmem:s26+$0x10] =	vst v6;
	v1 =	vnsel vm0, $0x0, v1;
	vm14 =	vgt.f32 v3, $2.000000030e-01  }
0x268: {  	[tilespmem:s26+$0xFFFFFFE0] =	vst v1;
	v63 =	vnsel vm14, $0x0, v4;
	vm15 =	vgt.f32 v5, $2.000000030e-01  }
0x269: {  	[tilespmem:s26+$0xFFFFFFF0] =	vst v63;
	v0 =	vnsel vm15, $0x0, v0  }
0x26a: {  	s0 =	simm.s32 $0xF70;
	[tilespmem:s26+$0x0] =	vst v0  }
.LBB2_41:
0x26b: {  	v0 =	vld [tilespmem:s22+$0x0]  }
0x26c: {  	v1 =	vld [tilespmem:s21+$0x0]  }
0x26d: {  	s0 =	sadd.s32 $0x10, s0  }
0x26e: {  	p0 =	slt.u32 s0, $0xF90  }
.Ltmp21:
0x26f: {  	_ = 	snop;
	(pc) =	sbr.rel @p0 .LBB2_41-.Ltmp21, $4  }
0x270: {  	v0 =	vmul.f32 $1.250000000e+00, v0  }
0x271: {  	vm0 =	vgt.f32 v1, $2.000000030e-01  }
0x272: {  	v0 =	vnsel vm0, $0x0, v0  }
0x273: {  	s21 =	sadd.s32 $0x10, s21;
	s22 =	sadd.s32 $0x10, s22;
	[tilespmem:s24+$0x0] =	vst v0;
	s24 =	sadd.s32 $0x10, s24  }
.Ltmp22:
0x274: {  	(pc) =	sbr.rel @p1 .LBB2_44-.Ltmp22, $4  }
0x275: {  	_ = 	snop  }
0x276: {  	s0 =	sshrl.u32 s20, $0x3  }
0x277: {  	s8 =	simm.s32 $0x1D000;
	s0 =	sadd.s32 s4, s0  }
0x278: {  	[hbm4b:s0+s5] =	stream.linear.scatter [tilespmem:s8], [sflag:$0x1E], $0xFA0, $0x38;
	[tilespmem:$0x1E000] =	vst v63  }
0x279: {  	s0 =	sld [smem:$0x7FD];
	_ =	sdelay $0x2  }
0x27a: {  	s0 =	sadd.s32 s19, s0  }
.Ltmp23:
0x27b: {  	s0 =	sshrl.u32 s0, $0x3;
	(pc) =	sbr.rel .LBB2_2-.Ltmp23, $4  }
0x27c: {  	s11 =	simm.s32 $0x9000;
	s8 =	sadd.s32 s1, s0  }
0x27d: {  	[tilespmem:s11], [sflag:$0xA] =	stream.linear.gather [hbm4b:s8+s5], $0xFA0, $0x38;
	[tilespmem:$0x1E000] =	vst v63  }
0x27e: {  	s26 =	simm.s32 $0x13000;
	s17 =	sadd.s32 $0x1, s17;
	s0 =	sadd.s32 s3, s0  }
0x27f: {  	[tilespmem:s26], [sflag:$0x14] =	stream.linear.gather [hbm4b:s0+s5], $0xFA0, $0x38;
	[tilespmem:$0x1E000] =	vst v63  }
.LBB2_45:
0x280: {  	_ =	sfence.sel $0x180000  }
0x281: {  	[bflag:$0x0] =	sbarrier.arrive $0xFFFF  }
0x282: {  	_ =	strace $0x90000047  }
0x283: {  	s0 =	stileid.u32;
	[bflag:$0x2] =	sbarrier.arrive $0xFFFF  }
0x284: {  	p0 =	sne.s32 s0, $0x0;
	s0 =	rddreg [dreg:$0x3]  }
0x285: {  	s0 =	sadd.s32 @!p0 $0x100000, s0  }
0x286: {  	[sflag:s0] =	ssyncadd.tile.s32 @!p0 $0x1;
	_ =	shalt  }
.Lfunc_end2:
_tile_overlayer_lowered:
.L_overlay_start_2:
0x287: {  	(tag) =	ssettag $0x2  }
0x288: {  	s0 =	rddreg [dreg:$0x0];
	s2 =	stileid.u32  }
0x289: {  	s1 =	rddreg [dreg:$0x1];
	p0 =	sne.s32 s2, $0x0  }
0x28a: {  	s3 =	rddreg [dreg:$0x2];
	[bflag:$0x3] =	sbarrier.arrive $0xFFFF;
	s2 =	simm.s32 @!p0 $0x1C1F  }
0x28b: {  	[timem:s3], [sflag:s2] =	dma.local @!p0 [hbm:s0], s1  }
0x28c: {  	s0 =	simm.s32 @!p0 $0x1F  }
0x28d: {  	_ =	swait.ge @!p0 [sflag:s0], s1  }
0x28e: {  	s1 =	ssub.s32 @!p0 $0x0, s1;
	[sflag:s0] =	ssyncset.done @!p0 $0x0  }
0x28f: {  	[sflag:s0] =	ssyncadd.s32 @!p0 s1  }
0x290: {  	[bflag:$0x3] =	sbarrier.arrive $0xFFFF  }
0x291: {  	_ =	shalt  }

</sc_bundles>
